<compile_context>
chip_gen: v7x
topology: tpu7x:2x2x1
jax: 0.10.2.dev20260603
libtpu: 0.0.44.dev20260713+nightly
codegen_flags: <defaults>
</compile_context>

<pallas_src>
import functools

import jax
import jax.numpy as jnp
from jax import lax
from jax.experimental import pallas as pl
from jax.experimental.pallas import tpu as pltpu
from jax.experimental.pallas import tpu_sc as plsc

N_NODES = 10000
N_EDGES = 160000
D_IN = 256
D_OUT = 256

NC = 2
NS = 16
L = 16

DH = D_OUT // 2
CHUNK = 128
N_CHUNKS = N_EDGES // CHUNK
N_PAD = 10240
ROWS_PER_TILE = N_PAD // NS
DRAIN = 128
N_DRAIN = ROWS_PER_TILE // DRAIN


def _matmul_kernel(x_ref, w_ref, out_ref):
    out_ref[0] = jnp.dot(x_ref[...], w_ref[...],
                         preferred_element_type=jnp.float32)


def _matmul_split(x, w):
    m_blk = 1000
    grid = (NC, N_NODES // m_blk)
    return pl.pallas_call(
        _matmul_kernel,
        grid=grid,
        in_specs=[
            pl.BlockSpec((m_blk, D_IN), lambda i, j: (j, 0)),
            pl.BlockSpec((D_IN, DH), lambda i, j: (0, i)),
        ],
        out_specs=pl.BlockSpec((1, m_blk, DH), lambda i, j: (i, j, 0)),
        out_shape=jax.ShapeDtypeStruct((NC, N_NODES, DH), jnp.float32),
    )(x, w)


def _spmm_body(h_hbm, packed_hbm, alpha_hbm, out_hbm,
               acc, eb, colb, gbuf, alphab, sem):
    c = lax.axis_index("c")
    s = lax.axis_index("s")

    zero = jnp.zeros((L,), jnp.float32)

    def zrow(r, _):
        for j in range(DH // L):
            gbuf[r, pl.ds(j * L, L)] = zero
        return 0

    lax.fori_loop(0, CHUNK, zrow, 0)

    r0 = s * ROWS_PER_TILE
    for d in range(N_DRAIN):
        pltpu.sync_copy(gbuf.at[pl.ds(0, DRAIN)],
                        acc.at[pl.ds(r0 + d * DRAIN, DRAIN)])

    pltpu.sync_copy(alpha_hbm.at[pl.ds(c * DH, DH)], alphab)

    plsc.subcore_barrier()

    col_off = (c * N_NODES).astype(jnp.int32)
    base_chunks = N_CHUNKS // NS
    rem_chunks = N_CHUNKS % NS
    n_my_chunks = base_chunks + jnp.where(s < rem_chunks, 1, 0)

    def chunk_body(i, _):
        chunk_id = s + i * NS
        pltpu.sync_copy(packed_hbm.at[chunk_id], eb)
        for j in range(CHUNK // L):
            colb[pl.ds(j * L, L)] = eb[1, pl.ds(j * L, L)] + col_off
        pltpu.async_copy(h_hbm.at[colb], gbuf, sem).wait()
        def edge_body(e, _):
            idx = jnp.zeros((L,), jnp.int32) + e
            w_bits = plsc.load_gather(eb.at[2], [idx])
            w = plsc.bitcast(w_bits, jnp.float32)
            for j in range(DH // L):
                sl = pl.ds(j * L, L)
                gbuf[e, sl] = gbuf[e, sl] * w
            return 0

        lax.fori_loop(0, CHUNK, edge_body, 0)
        pltpu.sync_copy(gbuf, acc.at[eb.at[0]], add=True)
        return 0

    lax.fori_loop(0, n_my_chunks, chunk_body, 0)

    plsc.subcore_barrier()

    for d in range(N_DRAIN):
        rbase = r0 + d * DRAIN
        pltpu.sync_copy(acc.at[pl.ds(rbase, DRAIN)], gbuf.at[pl.ds(0, DRAIN)])

        def prow(r, _):
            for j in range(DH // L):
                sl = pl.ds(j * L, L)
                v = gbuf[r, sl]
                a = alphab[sl]
                gbuf[r, sl] = jnp.where(v >= 0.0, v, a * v)
            return 0

        lax.fori_loop(0, DRAIN, prow, 0)
        pltpu.sync_copy(gbuf.at[pl.ds(0, DRAIN)],
                        out_hbm.at[pl.ds(rbase, DRAIN), pl.ds(c * DH, DH)])


_spmm = functools.partial(
    pl.kernel,
    out_type=jax.ShapeDtypeStruct((N_PAD, D_OUT), jnp.float32),
    mesh=plsc.VectorSubcoreMesh(core_axis_name="c", subcore_axis_name="s",
                                num_cores=NC, num_subcores=NS),
    scratch_types=[
        pltpu.MemorySpace.VMEM_SHARED((N_PAD, DH), jnp.float32),
        pltpu.VMEM((3, CHUNK), jnp.int32),
        pltpu.VMEM((CHUNK,), jnp.int32),
        pltpu.VMEM((CHUNK, DH), jnp.float32),
        pltpu.VMEM((DH,), jnp.float32),
        pltpu.SemaphoreType.DMA,
    ],
    compiler_params=pltpu.CompilerParams(needs_layout_passes=False),
)(_spmm_body)


def kernel(x, edge_index, adj_values, W, alpha):
    ei = edge_index.astype(jnp.int32)
    packed = jnp.stack(
        [ei[0].reshape(N_CHUNKS, CHUNK),
         ei[1].reshape(N_CHUNKS, CHUNK),
         lax.bitcast_convert_type(adj_values, jnp.int32).reshape(N_CHUNKS,
                                                                 CHUNK)],
        axis=1)
    h = _matmul_split(x, W)
    h_flat = h.reshape(NC * N_NODES, DH)
    out = _spmm(h_flat, packed, alpha)
    return out[:N_NODES]

# --- scband reference (transcript-rebuilt; emitter-appended) ---
"""Pipeline reference for scband-graph-convolution-79190607004091 (READ-ONLY COPY).

The authoritative reference and input builder live on the scoring server;
editing this copy changes nothing except your own understanding.
"""

import jax, jax.numpy as jnp
import numpy as np

N_NODES = 10000
N_EDGES = 160000
D_IN = 256
D_OUT = 256

def setup_inputs(seed: int = 0) -> dict:
    key = jax.random.key(seed)
    k1, k2, k3, k4, k5 = jax.random.split(key, 5)
    x = jax.random.normal(k1, (N_NODES, D_IN), dtype=jnp.float32)
    edge_index = jax.random.randint(k2, (2, N_EDGES), 0, N_NODES).astype(jnp.int64)
    adj_values = jax.random.uniform(k3, (N_EDGES,), dtype=jnp.float32)
    # Glorot-uniform weight
    limit = float(np.sqrt(6.0 / (D_IN + D_OUT)))
    W = jax.random.uniform(k4, (D_IN, D_OUT), dtype=jnp.float32, minval=-limit, maxval=limit)
    # keras PReLU default: per-channel alpha initialized to zeros
    alpha = jnp.zeros((D_OUT,), dtype=jnp.float32)
    return {"x": x, "edge_index": edge_index, "adj_values": adj_values, "W": W, "alpha": alpha}

def reference(x, edge_index, adj_values, W, alpha):
    # x = tf.matmul(x, self.w)  (inference path: no dropout)
    h = jnp.matmul(x, W)
    # x = tf.sparse.sparse_dense_matmul(adj, h):
    # out[i] = sum over edges k with row i: adj_values[k] * h[col_k]
    row = edge_index[0]
    col = edge_index[1]
    msg = h[col] * adj_values[:, None]
    out = jax.ops.segment_sum(msg, row, num_segments=N_NODES)
    # PReLU activation with learnable per-channel alpha
    out = jnp.where(out >= 0, out, alpha[None, :] * out)
    return out

if __name__ == "__main__":
    import jax
    _d = setup_inputs()
    print(jax.jit(kernel)(*tuple(_d.values())))

</pallas_src>

<mosaic_0001>
#map = affine_map<(d0, d1) -> (0, 0)>
#map1 = affine_map<(d0, d1) -> (0, 0, 0)>
#map2 = affine_map<(d0, d1) -> (0)>
module attributes {stable_mosaic.version = 14 : i64} {
  func.func @_spmm_body(%arg0: i32, %arg1: i32, %arg2: memref<20000x128xf32, #tpu.memory_space<hbm>>, %arg3: memref<1250x3x128xi32, #tpu.memory_space<hbm>>, %arg4: memref<256xf32, #tpu.memory_space<hbm>>, %arg5: memref<10240x256xf32, #tpu.memory_space<hbm>>, %arg6: memref<10240x128xf32, #tpu.memory_space<vmem_shared>>, %arg7: memref<3x128xi32, #tpu.memory_space<vmem>>, %arg8: memref<128xi32, #tpu.memory_space<vmem>>, %arg9: memref<128x128xf32, #tpu.memory_space<vmem>>, %arg10: memref<128xf32, #tpu.memory_space<vmem>>, %arg11: memref<!tpu.dma_semaphore, #tpu.memory_space<semaphore_mem>>) attributes {dimension_semantics = [#tpu.dimension_semantics<core_parallel>, #tpu.dimension_semantics<subcore_parallel>], iteration_bounds = array<i64: 2, 16>, scalar_prefetch = 0 : i64, scratch_operands = 6 : i64, tpu.core_type = #tpu.core_type<sc_vector_subcore>, window_params = [{transform_indices = #map}, {transform_indices = #map1}, {transform_indices = #map2}, {transform_indices = #map}]} {
    %broadcast_in_dim3A = arith.constant 0.000000e+00 : f32
    %broadcast_in_dim3A_0 = vector.broadcast %broadcast_in_dim3A : f32 to vector<16xf32>
    %scan3A = arith.constant 0 : i32
    %scan3A_1 = arith.constant 0 : i32
    %scan3A_2 = arith.constant 128 : i32
    %scan3A_3 = arith.addi %scan3A_1, %scan3A_2 : i32
    %scan3A_4 = arith.constant 1 : i32
    %scan3A_5 = scf.for %scan3A_92 = %scan3A_1 to %scan3A_3 step %scan3A_4 iter_args(%scan3A_93 = %scan3A) -> (i32)  : i32 {
      %swap3A = arith.index_cast %scan3A_92 : i32 to index
      %swap3A_94 = arith.constant 0 : index
      %swap3A_95 = tpu.vector_load %arg9[%swap3A, %swap3A_94] {strides = array<i32>} : memref<128x128xf32, #tpu.memory_space<vmem>>, vector<16xf32>,
      tpu.vector_store %arg9[%swap3A, %swap3A_94], %broadcast_in_dim3A_0 {strides = array<i32>} : memref<128x128xf32, #tpu.memory_space<vmem>>, vector<16xf32>,
      %swap3A_96 = arith.index_cast %scan3A_92 : i32 to index
      %swap3A_97 = arith.constant 16 : index
      %swap3A_98 = tpu.vector_load %arg9[%swap3A_96, %swap3A_97] {strides = array<i32>} : memref<128x128xf32, #tpu.memory_space<vmem>>, vector<16xf32>,
      tpu.vector_store %arg9[%swap3A_96, %swap3A_97], %broadcast_in_dim3A_0 {strides = array<i32>} : memref<128x128xf32, #tpu.memory_space<vmem>>, vector<16xf32>,
      %swap3A_99 = arith.index_cast %scan3A_92 : i32 to index
      %swap3A_100 = arith.constant 32 : index
      %swap3A_101 = tpu.vector_load %arg9[%swap3A_99, %swap3A_100] {strides = array<i32>} : memref<128x128xf32, #tpu.memory_space<vmem>>, vector<16xf32>,
      tpu.vector_store %arg9[%swap3A_99, %swap3A_100], %broadcast_in_dim3A_0 {strides = array<i32>} : memref<128x128xf32, #tpu.memory_space<vmem>>, vector<16xf32>,
      %swap3A_102 = arith.index_cast %scan3A_92 : i32 to index
      %swap3A_103 = arith.constant 48 : index
      %swap3A_104 = tpu.vector_load %arg9[%swap3A_102, %swap3A_103] {strides = array<i32>} : memref<128x128xf32, #tpu.memory_space<vmem>>, vector<16xf32>,
      tpu.vector_store %arg9[%swap3A_102, %swap3A_103], %broadcast_in_dim3A_0 {strides = array<i32>} : memref<128x128xf32, #tpu.memory_space<vmem>>, vector<16xf32>,
      %swap3A_105 = arith.index_cast %scan3A_92 : i32 to index
      %swap3A_106 = arith.constant 64 : index
      %swap3A_107 = tpu.vector_load %arg9[%swap3A_105, %swap3A_106] {strides = array<i32>} : memref<128x128xf32, #tpu.memory_space<vmem>>, vector<16xf32>,
      tpu.vector_store %arg9[%swap3A_105, %swap3A_106], %broadcast_in_dim3A_0 {strides = array<i32>} : memref<128x128xf32, #tpu.memory_space<vmem>>, vector<16xf32>,
      %swap3A_108 = arith.index_cast %scan3A_92 : i32 to index
      %swap3A_109 = arith.constant 80 : index
      %swap3A_110 = tpu.vector_load %arg9[%swap3A_108, %swap3A_109] {strides = array<i32>} : memref<128x128xf32, #tpu.memory_space<vmem>>, vector<16xf32>,
      tpu.vector_store %arg9[%swap3A_108, %swap3A_109], %broadcast_in_dim3A_0 {strides = array<i32>} : memref<128x128xf32, #tpu.memory_space<vmem>>, vector<16xf32>,
      %swap3A_111 = arith.index_cast %scan3A_92 : i32 to index
      %swap3A_112 = arith.constant 96 : index
      %swap3A_113 = tpu.vector_load %arg9[%swap3A_111, %swap3A_112] {strides = array<i32>} : memref<128x128xf32, #tpu.memory_space<vmem>>, vector<16xf32>,
      tpu.vector_store %arg9[%swap3A_111, %swap3A_112], %broadcast_in_dim3A_0 {strides = array<i32>} : memref<128x128xf32, #tpu.memory_space<vmem>>, vector<16xf32>,
      %swap3A_114 = arith.index_cast %scan3A_92 : i32 to index
      %swap3A_115 = arith.constant 112 : index
      %swap3A_116 = tpu.vector_load %arg9[%swap3A_114, %swap3A_115] {strides = array<i32>} : memref<128x128xf32, #tpu.memory_space<vmem>>, vector<16xf32>,
      tpu.vector_store %arg9[%swap3A_114, %swap3A_115], %broadcast_in_dim3A_0 {strides = array<i32>} : memref<128x128xf32, #tpu.memory_space<vmem>>, vector<16xf32>,
      %scan3A_117 = arith.constant 0 : i32
      scf.yield %scan3A_117 : i32
    }
    %scan3A_6 = arith.constant 128 : i32
    %mul3A = arith.constant 640 : i32
    %mul3A_7 = arith.muli %arg1, %mul3A : i32
    %add3A = arith.constant 0 : i32
    %add3A_8 = arith.addi %mul3A_7, %add3A : i32
    "tpu.region"() ({
      %run_scoped3A = tpu.sem_alloc : memref<!tpu.dma_semaphore, #tpu.memory_space<semaphore_mem>>
      %dma_start3A = arith.constant 0 : i32
      %dma_start3A_92 = arith.constant 0 : i32
      %dma_start3A_93 = tpu.memref_slice %arg9[%dma_start3A, %dma_start3A_92] : memref<128x128xf32, #tpu.memory_space<vmem>> -> memref<128x128xf32, #tpu.memory_space<vmem>>
      %dma_start3A_94 = arith.constant 0 : i32
      %dma_start3A_95 = tpu.memref_slice %arg6[%add3A_8, %dma_start3A_94] : memref<10240x128xf32, #tpu.memory_space<vmem_shared>> -> memref<128x128xf32, #tpu.memory_space<vmem_shared>>
      %dma_start3A_96 = arith.constant 0 : i32
      %dma_start3A_97 = tpu.memref_slice %arg6[%add3A_8, %dma_start3A_96] : memref<10240x128xf32, #tpu.memory_space<vmem_shared>> -> memref<128x128xf32, #tpu.memory_space<vmem_shared>>
      %dma_start3A_98 = arith.constant 0 : i32
      %dma_start3A_99 = arith.constant 0 : i32
      %dma_start3A_100 = tpu.memref_slice %arg9[%dma_start3A_98, %dma_start3A_99] : memref<128x128xf32, #tpu.memory_space<vmem>> -> memref<128x128xf32, #tpu.memory_space<vmem>>
      tpu.enqueue_dma source(%dma_start3A_100 : memref<128x128xf32, #tpu.memory_space<vmem>>) target(%dma_start3A_97 : memref<128x128xf32, #tpu.memory_space<vmem_shared>>) target_semaphore(%run_scoped3A : memref<!tpu.dma_semaphore, #tpu.memory_space<semaphore_mem>>)
      %dma_wait3A = arith.constant 0 : i32
      %dma_wait3A_101 = arith.constant 0 : i32
      %dma_wait3A_102 = tpu.memref_slice %arg9[%dma_wait3A, %dma_wait3A_101] : memref<128x128xf32, #tpu.memory_space<vmem>> -> memref<128x128xf32, #tpu.memory_space<vmem>>
      %dma_wait3A_103 = arith.constant 0 : i32
      %dma_wait3A_104 = tpu.memref_slice %arg6[%add3A_8, %dma_wait3A_103] : memref<10240x128xf32, #tpu.memory_space<vmem_shared>> -> memref<128x128xf32, #tpu.memory_space<vmem_shared>>
      %dma_wait3A_105 = arith.constant 0 : i32
      %dma_wait3A_106 = tpu.memref_slice %arg6[%add3A_8, %dma_wait3A_105] : memref<10240x128xf32, #tpu.memory_space<vmem_shared>> -> memref<128x128xf32, #tpu.memory_space<vmem_shared>>
      %dma_wait3A_107 = arith.constant 0 : i32
      %dma_wait3A_108 = arith.constant 0 : i32
      %dma_wait3A_109 = tpu.memref_slice %arg9[%dma_wait3A_107, %dma_wait3A_108] : memref<128x128xf32, #tpu.memory_space<vmem>> -> memref<128x128xf32, #tpu.memory_space<vmem>>
      tpu.wait_dma2 semaphore(%run_scoped3A : memref<!tpu.dma_semaphore, #tpu.memory_space<semaphore_mem>>) src(%dma_wait3A_109 : memref<128x128xf32, #tpu.memory_space<vmem>>) dst(%dma_wait3A_106 : memref<128x128xf32, #tpu.memory_space<vmem_shared>>)
      tpu.yield
    }) : () -> ()
    %add3A_9 = arith.constant 128 : i32
    %add3A_10 = arith.addi %mul3A_7, %add3A_9 : i32
    "tpu.region"() ({
      %run_scoped3A = tpu.sem_alloc : memref<!tpu.dma_semaphore, #tpu.memory_space<semaphore_mem>>
      %dma_start3A = arith.constant 0 : i32
      %dma_start3A_92 = arith.constant 0 : i32
      %dma_start3A_93 = tpu.memref_slice %arg9[%dma_start3A, %dma_start3A_92] : memref<128x128xf32, #tpu.memory_space<vmem>> -> memref<128x128xf32, #tpu.memory_space<vmem>>
      %dma_start3A_94 = arith.constant 0 : i32
      %dma_start3A_95 = tpu.memref_slice %arg6[%add3A_10, %dma_start3A_94] : memref<10240x128xf32, #tpu.memory_space<vmem_shared>> -> memref<128x128xf32, #tpu.memory_space<vmem_shared>>
      %dma_start3A_96 = arith.constant 0 : i32
      %dma_start3A_97 = tpu.memref_slice %arg6[%add3A_10, %dma_start3A_96] : memref<10240x128xf32, #tpu.memory_space<vmem_shared>> -> memref<128x128xf32, #tpu.memory_space<vmem_shared>>
      %dma_start3A_98 = arith.constant 0 : i32
      %dma_start3A_99 = arith.constant 0 : i32
      %dma_start3A_100 = tpu.memref_slice %arg9[%dma_start3A_98, %dma_start3A_99] : memref<128x128xf32, #tpu.memory_space<vmem>> -> memref<128x128xf32, #tpu.memory_space<vmem>>
      tpu.enqueue_dma source(%dma_start3A_100 : memref<128x128xf32, #tpu.memory_space<vmem>>) target(%dma_start3A_97 : memref<128x128xf32, #tpu.memory_space<vmem_shared>>) target_semaphore(%run_scoped3A : memref<!tpu.dma_semaphore, #tpu.memory_space<semaphore_mem>>)
      %dma_wait3A = arith.constant 0 : i32
      %dma_wait3A_101 = arith.constant 0 : i32
      %dma_wait3A_102 = tpu.memref_slice %arg9[%dma_wait3A, %dma_wait3A_101] : memref<128x128xf32, #tpu.memory_space<vmem>> -> memref<128x128xf32, #tpu.memory_space<vmem>>
      %dma_wait3A_103 = arith.constant 0 : i32
      %dma_wait3A_104 = tpu.memref_slice %arg6[%add3A_10, %dma_wait3A_103] : memref<10240x128xf32, #tpu.memory_space<vmem_shared>> -> memref<128x128xf32, #tpu.memory_space<vmem_shared>>
      %dma_wait3A_105 = arith.constant 0 : i32
      %dma_wait3A_106 = tpu.memref_slice %arg6[%add3A_10, %dma_wait3A_105] : memref<10240x128xf32, #tpu.memory_space<vmem_shared>> -> memref<128x128xf32, #tpu.memory_space<vmem_shared>>
      %dma_wait3A_107 = arith.constant 0 : i32
      %dma_wait3A_108 = arith.constant 0 : i32
      %dma_wait3A_109 = tpu.memref_slice %arg9[%dma_wait3A_107, %dma_wait3A_108] : memref<128x128xf32, #tpu.memory_space<vmem>> -> memref<128x128xf32, #tpu.memory_space<vmem>>
      tpu.wait_dma2 semaphore(%run_scoped3A : memref<!tpu.dma_semaphore, #tpu.memory_space<semaphore_mem>>) src(%dma_wait3A_109 : memref<128x128xf32, #tpu.memory_space<vmem>>) dst(%dma_wait3A_106 : memref<128x128xf32, #tpu.memory_space<vmem_shared>>)
      tpu.yield
    }) : () -> ()
    %add3A_11 = arith.constant 256 : i32
    %add3A_12 = arith.addi %mul3A_7, %add3A_11 : i32
    "tpu.region"() ({
      %run_scoped3A = tpu.sem_alloc : memref<!tpu.dma_semaphore, #tpu.memory_space<semaphore_mem>>
      %dma_start3A = arith.constant 0 : i32
      %dma_start3A_92 = arith.constant 0 : i32
      %dma_start3A_93 = tpu.memref_slice %arg9[%dma_start3A, %dma_start3A_92] : memref<128x128xf32, #tpu.memory_space<vmem>> -> memref<128x128xf32, #tpu.memory_space<vmem>>
      %dma_start3A_94 = arith.constant 0 : i32
      %dma_start3A_95 = tpu.memref_slice %arg6[%add3A_12, %dma_start3A_94] : memref<10240x128xf32, #tpu.memory_space<vmem_shared>> -> memref<128x128xf32, #tpu.memory_space<vmem_shared>>
      %dma_start3A_96 = arith.constant 0 : i32
      %dma_start3A_97 = tpu.memref_slice %arg6[%add3A_12, %dma_start3A_96] : memref<10240x128xf32, #tpu.memory_space<vmem_shared>> -> memref<128x128xf32, #tpu.memory_space<vmem_shared>>
      %dma_start3A_98 = arith.constant 0 : i32
      %dma_start3A_99 = arith.constant 0 : i32
      %dma_start3A_100 = tpu.memref_slice %arg9[%dma_start3A_98, %dma_start3A_99] : memref<128x128xf32, #tpu.memory_space<vmem>> -> memref<128x128xf32, #tpu.memory_space<vmem>>
      tpu.enqueue_dma source(%dma_start3A_100 : memref<128x128xf32, #tpu.memory_space<vmem>>) target(%dma_start3A_97 : memref<128x128xf32, #tpu.memory_space<vmem_shared>>) target_semaphore(%run_scoped3A : memref<!tpu.dma_semaphore, #tpu.memory_space<semaphore_mem>>)
      %dma_wait3A = arith.constant 0 : i32
      %dma_wait3A_101 = arith.constant 0 : i32
      %dma_wait3A_102 = tpu.memref_slice %arg9[%dma_wait3A, %dma_wait3A_101] : memref<128x128xf32, #tpu.memory_space<vmem>> -> memref<128x128xf32, #tpu.memory_space<vmem>>
      %dma_wait3A_103 = arith.constant 0 : i32
      %dma_wait3A_104 = tpu.memref_slice %arg6[%add3A_12, %dma_wait3A_103] : memref<10240x128xf32, #tpu.memory_space<vmem_shared>> -> memref<128x128xf32, #tpu.memory_space<vmem_shared>>
      %dma_wait3A_105 = arith.constant 0 : i32
      %dma_wait3A_106 = tpu.memref_slice %arg6[%add3A_12, %dma_wait3A_105] : memref<10240x128xf32, #tpu.memory_space<vmem_shared>> -> memref<128x128xf32, #tpu.memory_space<vmem_shared>>
      %dma_wait3A_107 = arith.constant 0 : i32
      %dma_wait3A_108 = arith.constant 0 : i32
      %dma_wait3A_109 = tpu.memref_slice %arg9[%dma_wait3A_107, %dma_wait3A_108] : memref<128x128xf32, #tpu.memory_space<vmem>> -> memref<128x128xf32, #tpu.memory_space<vmem>>
      tpu.wait_dma2 semaphore(%run_scoped3A : memref<!tpu.dma_semaphore, #tpu.memory_space<semaphore_mem>>) src(%dma_wait3A_109 : memref<128x128xf32, #tpu.memory_space<vmem>>) dst(%dma_wait3A_106 : memref<128x128xf32, #tpu.memory_space<vmem_shared>>)
      tpu.yield
    }) : () -> ()
    %add3A_13 = arith.constant 384 : i32
    %add3A_14 = arith.addi %mul3A_7, %add3A_13 : i32
    "tpu.region"() ({
      %run_scoped3A = tpu.sem_alloc : memref<!tpu.dma_semaphore, #tpu.memory_space<semaphore_mem>>
      %dma_start3A = arith.constant 0 : i32
      %dma_start3A_92 = arith.constant 0 : i32
      %dma_start3A_93 = tpu.memref_slice %arg9[%dma_start3A, %dma_start3A_92] : memref<128x128xf32, #tpu.memory_space<vmem>> -> memref<128x128xf32, #tpu.memory_space<vmem>>
      %dma_start3A_94 = arith.constant 0 : i32
      %dma_start3A_95 = tpu.memref_slice %arg6[%add3A_14, %dma_start3A_94] : memref<10240x128xf32, #tpu.memory_space<vmem_shared>> -> memref<128x128xf32, #tpu.memory_space<vmem_shared>>
      %dma_start3A_96 = arith.constant 0 : i32
      %dma_start3A_97 = tpu.memref_slice %arg6[%add3A_14, %dma_start3A_96] : memref<10240x128xf32, #tpu.memory_space<vmem_shared>> -> memref<128x128xf32, #tpu.memory_space<vmem_shared>>
      %dma_start3A_98 = arith.constant 0 : i32
      %dma_start3A_99 = arith.constant 0 : i32
      %dma_start3A_100 = tpu.memref_slice %arg9[%dma_start3A_98, %dma_start3A_99] : memref<128x128xf32, #tpu.memory_space<vmem>> -> memref<128x128xf32, #tpu.memory_space<vmem>>
      tpu.enqueue_dma source(%dma_start3A_100 : memref<128x128xf32, #tpu.memory_space<vmem>>) target(%dma_start3A_97 : memref<128x128xf32, #tpu.memory_space<vmem_shared>>) target_semaphore(%run_scoped3A : memref<!tpu.dma_semaphore, #tpu.memory_space<semaphore_mem>>)
      %dma_wait3A = arith.constant 0 : i32
      %dma_wait3A_101 = arith.constant 0 : i32
      %dma_wait3A_102 = tpu.memref_slice %arg9[%dma_wait3A, %dma_wait3A_101] : memref<128x128xf32, #tpu.memory_space<vmem>> -> memref<128x128xf32, #tpu.memory_space<vmem>>
      %dma_wait3A_103 = arith.constant 0 : i32
      %dma_wait3A_104 = tpu.memref_slice %arg6[%add3A_14, %dma_wait3A_103] : memref<10240x128xf32, #tpu.memory_space<vmem_shared>> -> memref<128x128xf32, #tpu.memory_space<vmem_shared>>
      %dma_wait3A_105 = arith.constant 0 : i32
      %dma_wait3A_106 = tpu.memref_slice %arg6[%add3A_14, %dma_wait3A_105] : memref<10240x128xf32, #tpu.memory_space<vmem_shared>> -> memref<128x128xf32, #tpu.memory_space<vmem_shared>>
      %dma_wait3A_107 = arith.constant 0 : i32
      %dma_wait3A_108 = arith.constant 0 : i32
      %dma_wait3A_109 = tpu.memref_slice %arg9[%dma_wait3A_107, %dma_wait3A_108] : memref<128x128xf32, #tpu.memory_space<vmem>> -> memref<128x128xf32, #tpu.memory_space<vmem>>
      tpu.wait_dma2 semaphore(%run_scoped3A : memref<!tpu.dma_semaphore, #tpu.memory_space<semaphore_mem>>) src(%dma_wait3A_109 : memref<128x128xf32, #tpu.memory_space<vmem>>) dst(%dma_wait3A_106 : memref<128x128xf32, #tpu.memory_space<vmem_shared>>)
      tpu.yield
    }) : () -> ()
    %add3A_15 = arith.constant 512 : i32
    %add3A_16 = arith.addi %mul3A_7, %add3A_15 : i32
    "tpu.region"() ({
      %run_scoped3A = tpu.sem_alloc : memref<!tpu.dma_semaphore, #tpu.memory_space<semaphore_mem>>
      %dma_start3A = arith.constant 0 : i32
      %dma_start3A_92 = arith.constant 0 : i32
      %dma_start3A_93 = tpu.memref_slice %arg9[%dma_start3A, %dma_start3A_92] : memref<128x128xf32, #tpu.memory_space<vmem>> -> memref<128x128xf32, #tpu.memory_space<vmem>>
      %dma_start3A_94 = arith.constant 0 : i32
      %dma_start3A_95 = tpu.memref_slice %arg6[%add3A_16, %dma_start3A_94] : memref<10240x128xf32, #tpu.memory_space<vmem_shared>> -> memref<128x128xf32, #tpu.memory_space<vmem_shared>>
      %dma_start3A_96 = arith.constant 0 : i32
      %dma_start3A_97 = tpu.memref_slice %arg6[%add3A_16, %dma_start3A_96] : memref<10240x128xf32, #tpu.memory_space<vmem_shared>> -> memref<128x128xf32, #tpu.memory_space<vmem_shared>>
      %dma_start3A_98 = arith.constant 0 : i32
      %dma_start3A_99 = arith.constant 0 : i32
      %dma_start3A_100 = tpu.memref_slice %arg9[%dma_start3A_98, %dma_start3A_99] : memref<128x128xf32, #tpu.memory_space<vmem>> -> memref<128x128xf32, #tpu.memory_space<vmem>>
      tpu.enqueue_dma source(%dma_start3A_100 : memref<128x128xf32, #tpu.memory_space<vmem>>) target(%dma_start3A_97 : memref<128x128xf32, #tpu.memory_space<vmem_shared>>) target_semaphore(%run_scoped3A : memref<!tpu.dma_semaphore, #tpu.memory_space<semaphore_mem>>)
      %dma_wait3A = arith.constant 0 : i32
      %dma_wait3A_101 = arith.constant 0 : i32
      %dma_wait3A_102 = tpu.memref_slice %arg9[%dma_wait3A, %dma_wait3A_101] : memref<128x128xf32, #tpu.memory_space<vmem>> -> memref<128x128xf32, #tpu.memory_space<vmem>>
      %dma_wait3A_103 = arith.constant 0 : i32
      %dma_wait3A_104 = tpu.memref_slice %arg6[%add3A_16, %dma_wait3A_103] : memref<10240x128xf32, #tpu.memory_space<vmem_shared>> -> memref<128x128xf32, #tpu.memory_space<vmem_shared>>
      %dma_wait3A_105 = arith.constant 0 : i32
      %dma_wait3A_106 = tpu.memref_slice %arg6[%add3A_16, %dma_wait3A_105] : memref<10240x128xf32, #tpu.memory_space<vmem_shared>> -> memref<128x128xf32, #tpu.memory_space<vmem_shared>>
      %dma_wait3A_107 = arith.constant 0 : i32
      %dma_wait3A_108 = arith.constant 0 : i32
      %dma_wait3A_109 = tpu.memref_slice %arg9[%dma_wait3A_107, %dma_wait3A_108] : memref<128x128xf32, #tpu.memory_space<vmem>> -> memref<128x128xf32, #tpu.memory_space<vmem>>
      tpu.wait_dma2 semaphore(%run_scoped3A : memref<!tpu.dma_semaphore, #tpu.memory_space<semaphore_mem>>) src(%dma_wait3A_109 : memref<128x128xf32, #tpu.memory_space<vmem>>) dst(%dma_wait3A_106 : memref<128x128xf32, #tpu.memory_space<vmem_shared>>)
      tpu.yield
    }) : () -> ()
    %mul3A_17 = arith.constant 128 : i32
    %mul3A_18 = arith.muli %arg0, %mul3A_17 : i32
    "tpu.region"() ({
      %run_scoped3A = tpu.sem_alloc : memref<!tpu.dma_semaphore, #tpu.memory_space<semaphore_mem>>
      %dma_start3A = tpu.memref_slice %arg4[%mul3A_18] : memref<256xf32, #tpu.memory_space<hbm>> -> memref<128xf32, #tpu.memory_space<hbm>>
      %dma_start3A_92 = tpu.memref_slice %arg4[%mul3A_18] : memref<256xf32, #tpu.memory_space<hbm>> -> memref<128xf32, #tpu.memory_space<hbm>>
      tpu.enqueue_dma source(%dma_start3A_92 : memref<128xf32, #tpu.memory_space<hbm>>) target(%arg10 : memref<128xf32, #tpu.memory_space<vmem>>) target_semaphore(%run_scoped3A : memref<!tpu.dma_semaphore, #tpu.memory_space<semaphore_mem>>)
      %dma_wait3A = tpu.memref_slice %arg4[%mul3A_18] : memref<256xf32, #tpu.memory_space<hbm>> -> memref<128xf32, #tpu.memory_space<hbm>>
      %dma_wait3A_93 = tpu.memref_slice %arg4[%mul3A_18] : memref<256xf32, #tpu.memory_space<hbm>> -> memref<128xf32, #tpu.memory_space<hbm>>
      tpu.wait_dma2 semaphore(%run_scoped3A : memref<!tpu.dma_semaphore, #tpu.memory_space<semaphore_mem>>) src(%dma_wait3A_93 : memref<128xf32, #tpu.memory_space<hbm>>) dst(%arg10 : memref<128xf32, #tpu.memory_space<vmem>>)
      tpu.yield
    }) : () -> ()
    %barrier3A = arith.constant 0 : index
    tpu.barrier barrier_id(%barrier3A)
    %mul3A_19 = arith.constant 10000 : i32
    %mul3A_20 = arith.muli %arg0, %mul3A_19 : i32
    %lt3A = arith.constant 2 : i32
    %lt3A_21 = arith.cmpi slt, %arg1, %lt3A : i32
    %jit3A = arith.constant 1 : i32
    %jit3A_22 = arith.constant 0 : i32
    %select_n3A = arith.select %lt3A_21, %jit3A, %jit3A_22 : i32
    %add3A_23 = arith.constant 78 : i32
    %add3A_24 = arith.addi %add3A_23, %select_n3A : i32
    %while3A = arith.constant 0 : i32
    %while3A_25 = arith.constant 0 : i32
    %while3A_26 = arith.subi %add3A_24, %while3A : i32
    %while3A_27 = arith.addi %while3A, %while3A_26 : i32
    %while3A_28 = arith.constant 1 : i32
    %while3A_29 = arith.divsi %while3A_26, %while3A_28 : i32
    %while3A_30 = arith.muli %while3A_29, %while3A_28 : i32
    %while3A_31 = arith.addi %while3A, %while3A_30 : i32
    %while3A_32 = arith.constant 1 : i32
    %while3A_33 = scf.for %while3A_92 = %while3A to %while3A_31 step %while3A_32 iter_args(%while3A_93 = %while3A_25) -> (i32)  : i32 {
      %mul3A_94 = arith.constant 16 : i32
      %mul3A_95 = arith.muli %while3A_92, %mul3A_94 : i32
      %add3A_96 = arith.addi %arg1, %mul3A_95 : i32
      "tpu.region"() ({
        %run_scoped3A_171 = tpu.sem_alloc : memref<!tpu.dma_semaphore, #tpu.memory_space<semaphore_mem>>
        %dma_start3A_172 = arith.constant 0 : i32
        %dma_start3A_173 = arith.constant 0 : i32
        %dma_start3A_174 = tpu.memref_slice %arg3[%add3A_96, %dma_start3A_172, %dma_start3A_173] : memref<1250x3x128xi32, #tpu.memory_space<hbm>> -> memref<1x3x128xi32, #tpu.memory_space<hbm>>
        %dma_start3A_175 = tpu.memref_squeeze %dma_start3A_174 : memref<1x3x128xi32, #tpu.memory_space<hbm>> -> memref<3x128xi32, #tpu.memory_space<hbm>>
        %dma_start3A_176 = arith.constant 0 : i32
        %dma_start3A_177 = arith.constant 0 : i32
        %dma_start3A_178 = tpu.memref_slice %arg3[%add3A_96, %dma_start3A_176, %dma_start3A_177] : memref<1250x3x128xi32, #tpu.memory_space<hbm>> -> memref<1x3x128xi32, #tpu.memory_space<hbm>>
        %dma_start3A_179 = tpu.memref_squeeze %dma_start3A_178 : memref<1x3x128xi32, #tpu.memory_space<hbm>> -> memref<3x128xi32, #tpu.memory_space<hbm>>
        tpu.enqueue_dma source(%dma_start3A_179 : memref<3x128xi32, #tpu.memory_space<hbm>>) target(%arg7 : memref<3x128xi32, #tpu.memory_space<vmem>>) target_semaphore(%run_scoped3A_171 : memref<!tpu.dma_semaphore, #tpu.memory_space<semaphore_mem>>)
        %dma_wait3A_180 = arith.constant 0 : i32
        %dma_wait3A_181 = arith.constant 0 : i32
        %dma_wait3A_182 = tpu.memref_slice %arg3[%add3A_96, %dma_wait3A_180, %dma_wait3A_181] : memref<1250x3x128xi32, #tpu.memory_space<hbm>> -> memref<1x3x128xi32, #tpu.memory_space<hbm>>
        %dma_wait3A_183 = tpu.memref_squeeze %dma_wait3A_182 : memref<1x3x128xi32, #tpu.memory_space<hbm>> -> memref<3x128xi32, #tpu.memory_space<hbm>>
        %dma_wait3A_184 = arith.constant 0 : i32
        %dma_wait3A_185 = arith.constant 0 : i32
        %dma_wait3A_186 = tpu.memref_slice %arg3[%add3A_96, %dma_wait3A_184, %dma_wait3A_185] : memref<1250x3x128xi32, #tpu.memory_space<hbm>> -> memref<1x3x128xi32, #tpu.memory_space<hbm>>
        %dma_wait3A_187 = tpu.memref_squeeze %dma_wait3A_186 : memref<1x3x128xi32, #tpu.memory_space<hbm>> -> memref<3x128xi32, #tpu.memory_space<hbm>>
        tpu.wait_dma2 semaphore(%run_scoped3A_171 : memref<!tpu.dma_semaphore, #tpu.memory_space<semaphore_mem>>) src(%dma_wait3A_187 : memref<3x128xi32, #tpu.memory_space<hbm>>) dst(%arg7 : memref<3x128xi32, #tpu.memory_space<vmem>>)
        tpu.yield
      }) : () -> ()
      %get3A = arith.constant 1 : i32
      %get3A_97 = arith.index_cast %get3A : i32 to index
      %get3A_98 = arith.constant 0 : index
      %get3A_99 = tpu.vector_load %arg7[%get3A_97, %get3A_98] {strides = array<i32>} : memref<3x128xi32, #tpu.memory_space<vmem>>, vector<16xi32>,
      %add3A_100 = vector.broadcast %mul3A_20 : i32 to vector<16xi32>
      %add3A_101 = arith.addi %get3A_99, %add3A_100 : vector<16xi32>
      %swap3A = arith.constant 0 : index
      %swap3A_102 = tpu.vector_load %arg8[%swap3A] {strides = array<i32>} : memref<128xi32, #tpu.memory_space<vmem>>, vector<16xi32>,
      tpu.vector_store %arg8[%swap3A], %add3A_101 {strides = array<i32>} : memref<128xi32, #tpu.memory_space<vmem>>, vector<16xi32>,
      %get3A_103 = arith.constant 1 : i32
      %get3A_104 = arith.index_cast %get3A_103 : i32 to index
      %get3A_105 = arith.constant 16 : index
      %get3A_106 = tpu.vector_load %arg7[%get3A_104, %get3A_105] {strides = array<i32>} : memref<3x128xi32, #tpu.memory_space<vmem>>, vector<16xi32>,
      %add3A_107 = vector.broadcast %mul3A_20 : i32 to vector<16xi32>
      %add3A_108 = arith.addi %get3A_106, %add3A_107 : vector<16xi32>
      %swap3A_109 = arith.constant 16 : index
      %swap3A_110 = tpu.vector_load %arg8[%swap3A_109] {strides = array<i32>} : memref<128xi32, #tpu.memory_space<vmem>>, vector<16xi32>,
      tpu.vector_store %arg8[%swap3A_109], %add3A_108 {strides = array<i32>} : memref<128xi32, #tpu.memory_space<vmem>>, vector<16xi32>,
      %get3A_111 = arith.constant 1 : i32
      %get3A_112 = arith.index_cast %get3A_111 : i32 to index
      %get3A_113 = arith.constant 32 : index
      %get3A_114 = tpu.vector_load %arg7[%get3A_112, %get3A_113] {strides = array<i32>} : memref<3x128xi32, #tpu.memory_space<vmem>>, vector<16xi32>,
      %add3A_115 = vector.broadcast %mul3A_20 : i32 to vector<16xi32>
      %add3A_116 = arith.addi %get3A_114, %add3A_115 : vector<16xi32>
      %swap3A_117 = arith.constant 32 : index
      %swap3A_118 = tpu.vector_load %arg8[%swap3A_117] {strides = array<i32>} : memref<128xi32, #tpu.memory_space<vmem>>, vector<16xi32>,
      tpu.vector_store %arg8[%swap3A_117], %add3A_116 {strides = array<i32>} : memref<128xi32, #tpu.memory_space<vmem>>, vector<16xi32>,
      %get3A_119 = arith.constant 1 : i32
      %get3A_120 = arith.index_cast %get3A_119 : i32 to index
      %get3A_121 = arith.constant 48 : index
      %get3A_122 = tpu.vector_load %arg7[%get3A_120, %get3A_121] {strides = array<i32>} : memref<3x128xi32, #tpu.memory_space<vmem>>, vector<16xi32>,
      %add3A_123 = vector.broadcast %mul3A_20 : i32 to vector<16xi32>
      %add3A_124 = arith.addi %get3A_122, %add3A_123 : vector<16xi32>
      %swap3A_125 = arith.constant 48 : index
      %swap3A_126 = tpu.vector_load %arg8[%swap3A_125] {strides = array<i32>} : memref<128xi32, #tpu.memory_space<vmem>>, vector<16xi32>,
      tpu.vector_store %arg8[%swap3A_125], %add3A_124 {strides = array<i32>} : memref<128xi32, #tpu.memory_space<vmem>>, vector<16xi32>,
      %get3A_127 = arith.constant 1 : i32
      %get3A_128 = arith.index_cast %get3A_127 : i32 to index
      %get3A_129 = arith.constant 64 : index
      %get3A_130 = tpu.vector_load %arg7[%get3A_128, %get3A_129] {strides = array<i32>} : memref<3x128xi32, #tpu.memory_space<vmem>>, vector<16xi32>,
      %add3A_131 = vector.broadcast %mul3A_20 : i32 to vector<16xi32>
      %add3A_132 = arith.addi %get3A_130, %add3A_131 : vector<16xi32>
      %swap3A_133 = arith.constant 64 : index
      %swap3A_134 = tpu.vector_load %arg8[%swap3A_133] {strides = array<i32>} : memref<128xi32, #tpu.memory_space<vmem>>, vector<16xi32>,
      tpu.vector_store %arg8[%swap3A_133], %add3A_132 {strides = array<i32>} : memref<128xi32, #tpu.memory_space<vmem>>, vector<16xi32>,
      %get3A_135 = arith.constant 1 : i32
      %get3A_136 = arith.index_cast %get3A_135 : i32 to index
      %get3A_137 = arith.constant 80 : index
      %get3A_138 = tpu.vector_load %arg7[%get3A_136, %get3A_137] {strides = array<i32>} : memref<3x128xi32, #tpu.memory_space<vmem>>, vector<16xi32>,
      %add3A_139 = vector.broadcast %mul3A_20 : i32 to vector<16xi32>
      %add3A_140 = arith.addi %get3A_138, %add3A_139 : vector<16xi32>
      %swap3A_141 = arith.constant 80 : index
      %swap3A_142 = tpu.vector_load %arg8[%swap3A_141] {strides = array<i32>} : memref<128xi32, #tpu.memory_space<vmem>>, vector<16xi32>,
      tpu.vector_store %arg8[%swap3A_141], %add3A_140 {strides = array<i32>} : memref<128xi32, #tpu.memory_space<vmem>>, vector<16xi32>,
      %get3A_143 = arith.constant 1 : i32
      %get3A_144 = arith.index_cast %get3A_143 : i32 to index
      %get3A_145 = arith.constant 96 : index
      %get3A_146 = tpu.vector_load %arg7[%get3A_144, %get3A_145] {strides = array<i32>} : memref<3x128xi32, #tpu.memory_space<vmem>>, vector<16xi32>,
      %add3A_147 = vector.broadcast %mul3A_20 : i32 to vector<16xi32>
      %add3A_148 = arith.addi %get3A_146, %add3A_147 : vector<16xi32>
      %swap3A_149 = arith.constant 96 : index
      %swap3A_150 = tpu.vector_load %arg8[%swap3A_149] {strides = array<i32>} : memref<128xi32, #tpu.memory_space<vmem>>, vector<16xi32>,
      tpu.vector_store %arg8[%swap3A_149], %add3A_148 {strides = array<i32>} : memref<128xi32, #tpu.memory_space<vmem>>, vector<16xi32>,
      %get3A_151 = arith.constant 1 : i32
      %get3A_152 = arith.index_cast %get3A_151 : i32 to index
      %get3A_153 = arith.constant 112 : index
      %get3A_154 = tpu.vector_load %arg7[%get3A_152, %get3A_153] {strides = array<i32>} : memref<3x128xi32, #tpu.memory_space<vmem>>, vector<16xi32>,
      %add3A_155 = vector.broadcast %mul3A_20 : i32 to vector<16xi32>
      %add3A_156 = arith.addi %get3A_154, %add3A_155 : vector<16xi32>
      %swap3A_157 = arith.constant 112 : index
      %swap3A_158 = tpu.vector_load %arg8[%swap3A_157] {strides = array<i32>} : memref<128xi32, #tpu.memory_space<vmem>>, vector<16xi32>,
      tpu.vector_store %arg8[%swap3A_157], %add3A_156 {strides = array<i32>} : memref<128xi32, #tpu.memory_space<vmem>>, vector<16xi32>,
      %dma_start3A = arith.constant 0 : i32
      %dma_start3A_159 = arith.constant 0 : i32
      %dma_start3A_160 = tpu.memref_slice %arg2[%dma_start3A, %dma_start3A_159] : memref<20000x128xf32, #tpu.memory_space<hbm>> -> memref<20000x128xf32, #tpu.memory_space<hbm>>
      tpu.enqueue_indirect_dma source(%dma_start3A_160 : memref<20000x128xf32, #tpu.memory_space<hbm>>) target(%arg9 : memref<128x128xf32, #tpu.memory_space<vmem>>) offsets(%arg8 : memref<128xi32, #tpu.memory_space<vmem>>) semaphore(%arg11 : memref<!tpu.dma_semaphore, #tpu.memory_space<semaphore_mem>>)
      %dma_wait3A = arith.constant 0 : i32
      %dma_wait3A_161 = arith.constant 0 : i32
      %dma_wait3A_162 = tpu.memref_slice %arg2[%dma_wait3A, %dma_wait3A_161] : memref<20000x128xf32, #tpu.memory_space<hbm>> -> memref<20000x128xf32, #tpu.memory_space<hbm>>
      tpu.wait_indirect_dma semaphore(%arg11 : memref<!tpu.dma_semaphore, #tpu.memory_space<semaphore_mem>>) src(%dma_wait3A_162 : memref<20000x128xf32, #tpu.memory_space<hbm>>) dst(%arg9 : memref<128x128xf32, #tpu.memory_space<vmem>>)
      %scan3A_163 = arith.constant 0 : i32
      %scan3A_164 = arith.constant 0 : i32
      %scan3A_165 = arith.constant 128 : i32
      %scan3A_166 = arith.addi %scan3A_164, %scan3A_165 : i32
      %scan3A_167 = arith.constant 1 : i32
      %scan3A_168 = scf.for %scan3A_171 = %scan3A_164 to %scan3A_166 step %scan3A_167 iter_args(%scan3A_172 = %scan3A_163) -> (i32)  : i32 {
        %broadcast_in_dim3A_173 = arith.constant 0 : i32
        %broadcast_in_dim3A_174 = vector.broadcast %broadcast_in_dim3A_173 : i32 to vector<16xi32>
        %add3A_175 = vector.broadcast %scan3A_171 : i32 to vector<16xi32>
        %add3A_176 = arith.addi %broadcast_in_dim3A_174, %add3A_175 : vector<16xi32>
        %gather3A = arith.constant 2 : i32
        %gather3A_177 = arith.constant 0 : i32
        %gather3A_178 = tpu.memref_slice %arg7[%gather3A, %gather3A_177] : memref<3x128xi32, #tpu.memory_space<vmem>> -> memref<1x128xi32, #tpu.memory_space<vmem>>
        %gather3A_179 = tpu.memref_squeeze %gather3A_178 : memref<1x128xi32, #tpu.memory_space<vmem>> -> memref<128xi32, #tpu.memory_space<vmem>>
        %gather3A_180 = tpu.vector_load_idx %gather3A_179[%add3A_176] : memref<128xi32, #tpu.memory_space<vmem>>[vector<16xi32>], vector<16xi32>,
        %bitcast3A = vector.bitcast %gather3A_180 : vector<16xi32> to vector<16xf32>
        %get3A_181 = arith.index_cast %scan3A_171 : i32 to index
        %get3A_182 = arith.constant 0 : index
        %get3A_183 = tpu.vector_load %arg9[%get3A_181, %get3A_182] {strides = array<i32>} : memref<128x128xf32, #tpu.memory_space<vmem>>, vector<16xf32>,
        %mul3A_184 = arith.mulf %get3A_183, %bitcast3A : vector<16xf32>
        %swap3A_185 = arith.index_cast %scan3A_171 : i32 to index
        %swap3A_186 = arith.constant 0 : index
        %swap3A_187 = tpu.vector_load %arg9[%swap3A_185, %swap3A_186] {strides = array<i32>} : memref<128x128xf32, #tpu.memory_space<vmem>>, vector<16xf32>,
        tpu.vector_store %arg9[%swap3A_185, %swap3A_186], %mul3A_184 {strides = array<i32>} : memref<128x128xf32, #tpu.memory_space<vmem>>, vector<16xf32>,
        %get3A_188 = arith.index_cast %scan3A_171 : i32 to index
        %get3A_189 = arith.constant 16 : index
        %get3A_190 = tpu.vector_load %arg9[%get3A_188, %get3A_189] {strides = array<i32>} : memref<128x128xf32, #tpu.memory_space<vmem>>, vector<16xf32>,
        %mul3A_191 = arith.mulf %get3A_190, %bitcast3A : vector<16xf32>
        %swap3A_192 = arith.index_cast %scan3A_171 : i32 to index
        %swap3A_193 = arith.constant 16 : index
        %swap3A_194 = tpu.vector_load %arg9[%swap3A_192, %swap3A_193] {strides = array<i32>} : memref<128x128xf32, #tpu.memory_space<vmem>>, vector<16xf32>,
        tpu.vector_store %arg9[%swap3A_192, %swap3A_193], %mul3A_191 {strides = array<i32>} : memref<128x128xf32, #tpu.memory_space<vmem>>, vector<16xf32>,
        %get3A_195 = arith.index_cast %scan3A_171 : i32 to index
        %get3A_196 = arith.constant 32 : index
        %get3A_197 = tpu.vector_load %arg9[%get3A_195, %get3A_196] {strides = array<i32>} : memref<128x128xf32, #tpu.memory_space<vmem>>, vector<16xf32>,
        %mul3A_198 = arith.mulf %get3A_197, %bitcast3A : vector<16xf32>
        %swap3A_199 = arith.index_cast %scan3A_171 : i32 to index
        %swap3A_200 = arith.constant 32 : index
        %swap3A_201 = tpu.vector_load %arg9[%swap3A_199, %swap3A_200] {strides = array<i32>} : memref<128x128xf32, #tpu.memory_space<vmem>>, vector<16xf32>,
        tpu.vector_store %arg9[%swap3A_199, %swap3A_200], %mul3A_198 {strides = array<i32>} : memref<128x128xf32, #tpu.memory_space<vmem>>, vector<16xf32>,
        %get3A_202 = arith.index_cast %scan3A_171 : i32 to index
        %get3A_203 = arith.constant 48 : index
        %get3A_204 = tpu.vector_load %arg9[%get3A_202, %get3A_203] {strides = array<i32>} : memref<128x128xf32, #tpu.memory_space<vmem>>, vector<16xf32>,
        %mul3A_205 = arith.mulf %get3A_204, %bitcast3A : vector<16xf32>
        %swap3A_206 = arith.index_cast %scan3A_171 : i32 to index
        %swap3A_207 = arith.constant 48 : index
        %swap3A_208 = tpu.vector_load %arg9[%swap3A_206, %swap3A_207] {strides = array<i32>} : memref<128x128xf32, #tpu.memory_space<vmem>>, vector<16xf32>,
        tpu.vector_store %arg9[%swap3A_206, %swap3A_207], %mul3A_205 {strides = array<i32>} : memref<128x128xf32, #tpu.memory_space<vmem>>, vector<16xf32>,
        %get3A_209 = arith.index_cast %scan3A_171 : i32 to index
        %get3A_210 = arith.constant 64 : index
        %get3A_211 = tpu.vector_load %arg9[%get3A_209, %get3A_210] {strides = array<i32>} : memref<128x128xf32, #tpu.memory_space<vmem>>, vector<16xf32>,
        %mul3A_212 = arith.mulf %get3A_211, %bitcast3A : vector<16xf32>
        %swap3A_213 = arith.index_cast %scan3A_171 : i32 to index
        %swap3A_214 = arith.constant 64 : index
        %swap3A_215 = tpu.vector_load %arg9[%swap3A_213, %swap3A_214] {strides = array<i32>} : memref<128x128xf32, #tpu.memory_space<vmem>>, vector<16xf32>,
        tpu.vector_store %arg9[%swap3A_213, %swap3A_214], %mul3A_212 {strides = array<i32>} : memref<128x128xf32, #tpu.memory_space<vmem>>, vector<16xf32>,
        %get3A_216 = arith.index_cast %scan3A_171 : i32 to index
        %get3A_217 = arith.constant 80 : index
        %get3A_218 = tpu.vector_load %arg9[%get3A_216, %get3A_217] {strides = array<i32>} : memref<128x128xf32, #tpu.memory_space<vmem>>, vector<16xf32>,
        %mul3A_219 = arith.mulf %get3A_218, %bitcast3A : vector<16xf32>
        %swap3A_220 = arith.index_cast %scan3A_171 : i32 to index
        %swap3A_221 = arith.constant 80 : index
        %swap3A_222 = tpu.vector_load %arg9[%swap3A_220, %swap3A_221] {strides = array<i32>} : memref<128x128xf32, #tpu.memory_space<vmem>>, vector<16xf32>,
        tpu.vector_store %arg9[%swap3A_220, %swap3A_221], %mul3A_219 {strides = array<i32>} : memref<128x128xf32, #tpu.memory_space<vmem>>, vector<16xf32>,
        %get3A_223 = arith.index_cast %scan3A_171 : i32 to index
        %get3A_224 = arith.constant 96 : index
        %get3A_225 = tpu.vector_load %arg9[%get3A_223, %get3A_224] {strides = array<i32>} : memref<128x128xf32, #tpu.memory_space<vmem>>, vector<16xf32>,
        %mul3A_226 = arith.mulf %get3A_225, %bitcast3A : vector<16xf32>
        %swap3A_227 = arith.index_cast %scan3A_171 : i32 to index
        %swap3A_228 = arith.constant 96 : index
        %swap3A_229 = tpu.vector_load %arg9[%swap3A_227, %swap3A_228] {strides = array<i32>} : memref<128x128xf32, #tpu.memory_space<vmem>>, vector<16xf32>,
        tpu.vector_store %arg9[%swap3A_227, %swap3A_228], %mul3A_226 {strides = array<i32>} : memref<128x128xf32, #tpu.memory_space<vmem>>, vector<16xf32>,
        %get3A_230 = arith.index_cast %scan3A_171 : i32 to index
        %get3A_231 = arith.constant 112 : index
        %get3A_232 = tpu.vector_load %arg9[%get3A_230, %get3A_231] {strides = array<i32>} : memref<128x128xf32, #tpu.memory_space<vmem>>, vector<16xf32>,
        %mul3A_233 = arith.mulf %get3A_232, %bitcast3A : vector<16xf32>
        %swap3A_234 = arith.index_cast %scan3A_171 : i32 to index
        %swap3A_235 = arith.constant 112 : index
        %swap3A_236 = tpu.vector_load %arg9[%swap3A_234, %swap3A_235] {strides = array<i32>} : memref<128x128xf32, #tpu.memory_space<vmem>>, vector<16xf32>,
        tpu.vector_store %arg9[%swap3A_234, %swap3A_235], %mul3A_233 {strides = array<i32>} : memref<128x128xf32, #tpu.memory_space<vmem>>, vector<16xf32>,
        %scan3A_237 = arith.constant 0 : i32
        scf.yield %scan3A_237 : i32
      }
      %scan3A_169 = arith.constant 128 : i32
      %run_scoped3A = arith.constant 0 : i32
      "tpu.region"() ({
        %run_scoped3A_171 = tpu.sem_alloc : memref<!tpu.dma_semaphore, #tpu.memory_space<semaphore_mem>>
        %dma_start3A_172 = arith.constant 0 : i32
        %dma_start3A_173 = tpu.memref_slice %arg7[%run_scoped3A, %dma_start3A_172] : memref<3x128xi32, #tpu.memory_space<vmem>> -> memref<1x128xi32, #tpu.memory_space<vmem>>
        %dma_start3A_174 = tpu.memref_squeeze %dma_start3A_173 : memref<1x128xi32, #tpu.memory_space<vmem>> -> memref<128xi32, #tpu.memory_space<vmem>>
        %dma_start3A_175 = arith.constant 0 : i32
        %dma_start3A_176 = arith.constant 0 : i32
        %dma_start3A_177 = tpu.memref_slice %arg6[%dma_start3A_175, %dma_start3A_176] : memref<10240x128xf32, #tpu.memory_space<vmem_shared>> -> memref<10240x128xf32, #tpu.memory_space<vmem_shared>>
        tpu.enqueue_indirect_dma source(%arg9 : memref<128x128xf32, #tpu.memory_space<vmem>>) target(%dma_start3A_177 : memref<10240x128xf32, #tpu.memory_space<vmem_shared>>) offsets(%dma_start3A_174 : memref<128xi32, #tpu.memory_space<vmem>>) semaphore(%run_scoped3A_171 : memref<!tpu.dma_semaphore, #tpu.memory_space<semaphore_mem>>) {add = true}
        %dma_wait3A_178 = arith.constant 0 : i32
        %dma_wait3A_179 = tpu.memref_slice %arg7[%run_scoped3A, %dma_wait3A_178] : memref<3x128xi32, #tpu.memory_space<vmem>> -> memref<1x128xi32, #tpu.memory_space<vmem>>
        %dma_wait3A_180 = tpu.memref_squeeze %dma_wait3A_179 : memref<1x128xi32, #tpu.memory_space<vmem>> -> memref<128xi32, #tpu.memory_space<vmem>>
        %dma_wait3A_181 = arith.constant 0 : i32
        %dma_wait3A_182 = arith.constant 0 : i32
        %dma_wait3A_183 = tpu.memref_slice %arg6[%dma_wait3A_181, %dma_wait3A_182] : memref<10240x128xf32, #tpu.memory_space<vmem_shared>> -> memref<10240x128xf32, #tpu.memory_space<vmem_shared>>
        tpu.wait_indirect_dma semaphore(%run_scoped3A_171 : memref<!tpu.dma_semaphore, #tpu.memory_space<semaphore_mem>>) src(%arg9 : memref<128x128xf32, #tpu.memory_space<vmem>>) dst(%dma_wait3A_183 : memref<10240x128xf32, #tpu.memory_space<vmem_shared>>)
        tpu.yield
      }) : () -> ()
      %while3A_170 = arith.constant 0 : i32
      scf.yield %while3A_170 : i32
    }
    %while3A_34 = arith.constant 1 : i32
    %while3A_35 = scf.for %while3A_92 = %while3A_31 to %while3A_27 step %while3A_34 iter_args(%while3A_93 = %while3A_33) -> (i32)  : i32 {
      %mul3A_94 = arith.constant 16 : i32
      %mul3A_95 = arith.muli %while3A_92, %mul3A_94 : i32
      %add3A_96 = arith.addi %arg1, %mul3A_95 : i32
      "tpu.region"() ({
        %run_scoped3A_171 = tpu.sem_alloc : memref<!tpu.dma_semaphore, #tpu.memory_space<semaphore_mem>>
        %dma_start3A_172 = arith.constant 0 : i32
        %dma_start3A_173 = arith.constant 0 : i32
        %dma_start3A_174 = tpu.memref_slice %arg3[%add3A_96, %dma_start3A_172, %dma_start3A_173] : memref<1250x3x128xi32, #tpu.memory_space<hbm>> -> memref<1x3x128xi32, #tpu.memory_space<hbm>>
        %dma_start3A_175 = tpu.memref_squeeze %dma_start3A_174 : memref<1x3x128xi32, #tpu.memory_space<hbm>> -> memref<3x128xi32, #tpu.memory_space<hbm>>
        %dma_start3A_176 = arith.constant 0 : i32
        %dma_start3A_177 = arith.constant 0 : i32
        %dma_start3A_178 = tpu.memref_slice %arg3[%add3A_96, %dma_start3A_176, %dma_start3A_177] : memref<1250x3x128xi32, #tpu.memory_space<hbm>> -> memref<1x3x128xi32, #tpu.memory_space<hbm>>
        %dma_start3A_179 = tpu.memref_squeeze %dma_start3A_178 : memref<1x3x128xi32, #tpu.memory_space<hbm>> -> memref<3x128xi32, #tpu.memory_space<hbm>>
        tpu.enqueue_dma source(%dma_start3A_179 : memref<3x128xi32, #tpu.memory_space<hbm>>) target(%arg7 : memref<3x128xi32, #tpu.memory_space<vmem>>) target_semaphore(%run_scoped3A_171 : memref<!tpu.dma_semaphore, #tpu.memory_space<semaphore_mem>>)
        %dma_wait3A_180 = arith.constant 0 : i32
        %dma_wait3A_181 = arith.constant 0 : i32
        %dma_wait3A_182 = tpu.memref_slice %arg3[%add3A_96, %dma_wait3A_180, %dma_wait3A_181] : memref<1250x3x128xi32, #tpu.memory_space<hbm>> -> memref<1x3x128xi32, #tpu.memory_space<hbm>>
        %dma_wait3A_183 = tpu.memref_squeeze %dma_wait3A_182 : memref<1x3x128xi32, #tpu.memory_space<hbm>> -> memref<3x128xi32, #tpu.memory_space<hbm>>
        %dma_wait3A_184 = arith.constant 0 : i32
        %dma_wait3A_185 = arith.constant 0 : i32
        %dma_wait3A_186 = tpu.memref_slice %arg3[%add3A_96, %dma_wait3A_184, %dma_wait3A_185] : memref<1250x3x128xi32, #tpu.memory_space<hbm>> -> memref<1x3x128xi32, #tpu.memory_space<hbm>>
        %dma_wait3A_187 = tpu.memref_squeeze %dma_wait3A_186 : memref<1x3x128xi32, #tpu.memory_space<hbm>> -> memref<3x128xi32, #tpu.memory_space<hbm>>
        tpu.wait_dma2 semaphore(%run_scoped3A_171 : memref<!tpu.dma_semaphore, #tpu.memory_space<semaphore_mem>>) src(%dma_wait3A_187 : memref<3x128xi32, #tpu.memory_space<hbm>>) dst(%arg7 : memref<3x128xi32, #tpu.memory_space<vmem>>)
        tpu.yield
      }) : () -> ()
      %get3A = arith.constant 1 : i32
      %get3A_97 = arith.index_cast %get3A : i32 to index
      %get3A_98 = arith.constant 0 : index
      %get3A_99 = tpu.vector_load %arg7[%get3A_97, %get3A_98] {strides = array<i32>} : memref<3x128xi32, #tpu.memory_space<vmem>>, vector<16xi32>,
      %add3A_100 = vector.broadcast %mul3A_20 : i32 to vector<16xi32>
      %add3A_101 = arith.addi %get3A_99, %add3A_100 : vector<16xi32>
      %swap3A = arith.constant 0 : index
      %swap3A_102 = tpu.vector_load %arg8[%swap3A] {strides = array<i32>} : memref<128xi32, #tpu.memory_space<vmem>>, vector<16xi32>,
      tpu.vector_store %arg8[%swap3A], %add3A_101 {strides = array<i32>} : memref<128xi32, #tpu.memory_space<vmem>>, vector<16xi32>,
      %get3A_103 = arith.constant 1 : i32
      %get3A_104 = arith.index_cast %get3A_103 : i32 to index
      %get3A_105 = arith.constant 16 : index
      %get3A_106 = tpu.vector_load %arg7[%get3A_104, %get3A_105] {strides = array<i32>} : memref<3x128xi32, #tpu.memory_space<vmem>>, vector<16xi32>,
      %add3A_107 = vector.broadcast %mul3A_20 : i32 to vector<16xi32>
      %add3A_108 = arith.addi %get3A_106, %add3A_107 : vector<16xi32>
      %swap3A_109 = arith.constant 16 : index
      %swap3A_110 = tpu.vector_load %arg8[%swap3A_109] {strides = array<i32>} : memref<128xi32, #tpu.memory_space<vmem>>, vector<16xi32>,
      tpu.vector_store %arg8[%swap3A_109], %add3A_108 {strides = array<i32>} : memref<128xi32, #tpu.memory_space<vmem>>, vector<16xi32>,
      %get3A_111 = arith.constant 1 : i32
      %get3A_112 = arith.index_cast %get3A_111 : i32 to index
      %get3A_113 = arith.constant 32 : index
      %get3A_114 = tpu.vector_load %arg7[%get3A_112, %get3A_113] {strides = array<i32>} : memref<3x128xi32, #tpu.memory_space<vmem>>, vector<16xi32>,
      %add3A_115 = vector.broadcast %mul3A_20 : i32 to vector<16xi32>
      %add3A_116 = arith.addi %get3A_114, %add3A_115 : vector<16xi32>
      %swap3A_117 = arith.constant 32 : index
      %swap3A_118 = tpu.vector_load %arg8[%swap3A_117] {strides = array<i32>} : memref<128xi32, #tpu.memory_space<vmem>>, vector<16xi32>,
      tpu.vector_store %arg8[%swap3A_117], %add3A_116 {strides = array<i32>} : memref<128xi32, #tpu.memory_space<vmem>>, vector<16xi32>,
      %get3A_119 = arith.constant 1 : i32
      %get3A_120 = arith.index_cast %get3A_119 : i32 to index
      %get3A_121 = arith.constant 48 : index
      %get3A_122 = tpu.vector_load %arg7[%get3A_120, %get3A_121] {strides = array<i32>} : memref<3x128xi32, #tpu.memory_space<vmem>>, vector<16xi32>,
      %add3A_123 = vector.broadcast %mul3A_20 : i32 to vector<16xi32>
      %add3A_124 = arith.addi %get3A_122, %add3A_123 : vector<16xi32>
      %swap3A_125 = arith.constant 48 : index
      %swap3A_126 = tpu.vector_load %arg8[%swap3A_125] {strides = array<i32>} : memref<128xi32, #tpu.memory_space<vmem>>, vector<16xi32>,
      tpu.vector_store %arg8[%swap3A_125], %add3A_124 {strides = array<i32>} : memref<128xi32, #tpu.memory_space<vmem>>, vector<16xi32>,
      %get3A_127 = arith.constant 1 : i32
      %get3A_128 = arith.index_cast %get3A_127 : i32 to index
      %get3A_129 = arith.constant 64 : index
      %get3A_130 = tpu.vector_load %arg7[%get3A_128, %get3A_129] {strides = array<i32>} : memref<3x128xi32, #tpu.memory_space<vmem>>, vector<16xi32>,
      %add3A_131 = vector.broadcast %mul3A_20 : i32 to vector<16xi32>
      %add3A_132 = arith.addi %get3A_130, %add3A_131 : vector<16xi32>
      %swap3A_133 = arith.constant 64 : index
      %swap3A_134 = tpu.vector_load %arg8[%swap3A_133] {strides = array<i32>} : memref<128xi32, #tpu.memory_space<vmem>>, vector<16xi32>,
      tpu.vector_store %arg8[%swap3A_133], %add3A_132 {strides = array<i32>} : memref<128xi32, #tpu.memory_space<vmem>>, vector<16xi32>,
      %get3A_135 = arith.constant 1 : i32
      %get3A_136 = arith.index_cast %get3A_135 : i32 to index
      %get3A_137 = arith.constant 80 : index
      %get3A_138 = tpu.vector_load %arg7[%get3A_136, %get3A_137] {strides = array<i32>} : memref<3x128xi32, #tpu.memory_space<vmem>>, vector<16xi32>,
      %add3A_139 = vector.broadcast %mul3A_20 : i32 to vector<16xi32>
      %add3A_140 = arith.addi %get3A_138, %add3A_139 : vector<16xi32>
      %swap3A_141 = arith.constant 80 : index
      %swap3A_142 = tpu.vector_load %arg8[%swap3A_141] {strides = array<i32>} : memref<128xi32, #tpu.memory_space<vmem>>, vector<16xi32>,
      tpu.vector_store %arg8[%swap3A_141], %add3A_140 {strides = array<i32>} : memref<128xi32, #tpu.memory_space<vmem>>, vector<16xi32>,
      %get3A_143 = arith.constant 1 : i32
      %get3A_144 = arith.index_cast %get3A_143 : i32 to index
      %get3A_145 = arith.constant 96 : index
      %get3A_146 = tpu.vector_load %arg7[%get3A_144, %get3A_145] {strides = array<i32>} : memref<3x128xi32, #tpu.memory_space<vmem>>, vector<16xi32>,
      %add3A_147 = vector.broadcast %mul3A_20 : i32 to vector<16xi32>
      %add3A_148 = arith.addi %get3A_146, %add3A_147 : vector<16xi32>
      %swap3A_149 = arith.constant 96 : index
      %swap3A_150 = tpu.vector_load %arg8[%swap3A_149] {strides = array<i32>} : memref<128xi32, #tpu.memory_space<vmem>>, vector<16xi32>,
      tpu.vector_store %arg8[%swap3A_149], %add3A_148 {strides = array<i32>} : memref<128xi32, #tpu.memory_space<vmem>>, vector<16xi32>,
      %get3A_151 = arith.constant 1 : i32
      %get3A_152 = arith.index_cast %get3A_151 : i32 to index
      %get3A_153 = arith.constant 112 : index
      %get3A_154 = tpu.vector_load %arg7[%get3A_152, %get3A_153] {strides = array<i32>} : memref<3x128xi32, #tpu.memory_space<vmem>>, vector<16xi32>,
      %add3A_155 = vector.broadcast %mul3A_20 : i32 to vector<16xi32>
      %add3A_156 = arith.addi %get3A_154, %add3A_155 : vector<16xi32>
      %swap3A_157 = arith.constant 112 : index
      %swap3A_158 = tpu.vector_load %arg8[%swap3A_157] {strides = array<i32>} : memref<128xi32, #tpu.memory_space<vmem>>, vector<16xi32>,
      tpu.vector_store %arg8[%swap3A_157], %add3A_156 {strides = array<i32>} : memref<128xi32, #tpu.memory_space<vmem>>, vector<16xi32>,
      %dma_start3A = arith.constant 0 : i32
      %dma_start3A_159 = arith.constant 0 : i32
      %dma_start3A_160 = tpu.memref_slice %arg2[%dma_start3A, %dma_start3A_159] : memref<20000x128xf32, #tpu.memory_space<hbm>> -> memref<20000x128xf32, #tpu.memory_space<hbm>>
      tpu.enqueue_indirect_dma source(%dma_start3A_160 : memref<20000x128xf32, #tpu.memory_space<hbm>>) target(%arg9 : memref<128x128xf32, #tpu.memory_space<vmem>>) offsets(%arg8 : memref<128xi32, #tpu.memory_space<vmem>>) semaphore(%arg11 : memref<!tpu.dma_semaphore, #tpu.memory_space<semaphore_mem>>)
      %dma_wait3A = arith.constant 0 : i32
      %dma_wait3A_161 = arith.constant 0 : i32
      %dma_wait3A_162 = tpu.memref_slice %arg2[%dma_wait3A, %dma_wait3A_161] : memref<20000x128xf32, #tpu.memory_space<hbm>> -> memref<20000x128xf32, #tpu.memory_space<hbm>>
      tpu.wait_indirect_dma semaphore(%arg11 : memref<!tpu.dma_semaphore, #tpu.memory_space<semaphore_mem>>) src(%dma_wait3A_162 : memref<20000x128xf32, #tpu.memory_space<hbm>>) dst(%arg9 : memref<128x128xf32, #tpu.memory_space<vmem>>)
      %scan3A_163 = arith.constant 0 : i32
      %scan3A_164 = arith.constant 0 : i32
      %scan3A_165 = arith.constant 128 : i32
      %scan3A_166 = arith.addi %scan3A_164, %scan3A_165 : i32
      %scan3A_167 = arith.constant 1 : i32
      %scan3A_168 = scf.for %scan3A_171 = %scan3A_164 to %scan3A_166 step %scan3A_167 iter_args(%scan3A_172 = %scan3A_163) -> (i32)  : i32 {
        %broadcast_in_dim3A_173 = arith.constant 0 : i32
        %broadcast_in_dim3A_174 = vector.broadcast %broadcast_in_dim3A_173 : i32 to vector<16xi32>
        %add3A_175 = vector.broadcast %scan3A_171 : i32 to vector<16xi32>
        %add3A_176 = arith.addi %broadcast_in_dim3A_174, %add3A_175 : vector<16xi32>
        %gather3A = arith.constant 2 : i32
        %gather3A_177 = arith.constant 0 : i32
        %gather3A_178 = tpu.memref_slice %arg7[%gather3A, %gather3A_177] : memref<3x128xi32, #tpu.memory_space<vmem>> -> memref<1x128xi32, #tpu.memory_space<vmem>>
        %gather3A_179 = tpu.memref_squeeze %gather3A_178 : memref<1x128xi32, #tpu.memory_space<vmem>> -> memref<128xi32, #tpu.memory_space<vmem>>
        %gather3A_180 = tpu.vector_load_idx %gather3A_179[%add3A_176] : memref<128xi32, #tpu.memory_space<vmem>>[vector<16xi32>], vector<16xi32>,
        %bitcast3A = vector.bitcast %gather3A_180 : vector<16xi32> to vector<16xf32>
        %get3A_181 = arith.index_cast %scan3A_171 : i32 to index
        %get3A_182 = arith.constant 0 : index
        %get3A_183 = tpu.vector_load %arg9[%get3A_181, %get3A_182] {strides = array<i32>} : memref<128x128xf32, #tpu.memory_space<vmem>>, vector<16xf32>,
        %mul3A_184 = arith.mulf %get3A_183, %bitcast3A : vector<16xf32>
        %swap3A_185 = arith.index_cast %scan3A_171 : i32 to index
        %swap3A_186 = arith.constant 0 : index
        %swap3A_187 = tpu.vector_load %arg9[%swap3A_185, %swap3A_186] {strides = array<i32>} : memref<128x128xf32, #tpu.memory_space<vmem>>, vector<16xf32>,
        tpu.vector_store %arg9[%swap3A_185, %swap3A_186], %mul3A_184 {strides = array<i32>} : memref<128x128xf32, #tpu.memory_space<vmem>>, vector<16xf32>,
        %get3A_188 = arith.index_cast %scan3A_171 : i32 to index
        %get3A_189 = arith.constant 16 : index
        %get3A_190 = tpu.vector_load %arg9[%get3A_188, %get3A_189] {strides = array<i32>} : memref<128x128xf32, #tpu.memory_space<vmem>>, vector<16xf32>,
        %mul3A_191 = arith.mulf %get3A_190, %bitcast3A : vector<16xf32>
        %swap3A_192 = arith.index_cast %scan3A_171 : i32 to index
        %swap3A_193 = arith.constant 16 : index
        %swap3A_194 = tpu.vector_load %arg9[%swap3A_192, %swap3A_193] {strides = array<i32>} : memref<128x128xf32, #tpu.memory_space<vmem>>, vector<16xf32>,
        tpu.vector_store %arg9[%swap3A_192, %swap3A_193], %mul3A_191 {strides = array<i32>} : memref<128x128xf32, #tpu.memory_space<vmem>>, vector<16xf32>,
        %get3A_195 = arith.index_cast %scan3A_171 : i32 to index
        %get3A_196 = arith.constant 32 : index
        %get3A_197 = tpu.vector_load %arg9[%get3A_195, %get3A_196] {strides = array<i32>} : memref<128x128xf32, #tpu.memory_space<vmem>>, vector<16xf32>,
        %mul3A_198 = arith.mulf %get3A_197, %bitcast3A : vector<16xf32>
        %swap3A_199 = arith.index_cast %scan3A_171 : i32 to index
        %swap3A_200 = arith.constant 32 : index
        %swap3A_201 = tpu.vector_load %arg9[%swap3A_199, %swap3A_200] {strides = array<i32>} : memref<128x128xf32, #tpu.memory_space<vmem>>, vector<16xf32>,
        tpu.vector_store %arg9[%swap3A_199, %swap3A_200], %mul3A_198 {strides = array<i32>} : memref<128x128xf32, #tpu.memory_space<vmem>>, vector<16xf32>,
        %get3A_202 = arith.index_cast %scan3A_171 : i32 to index
        %get3A_203 = arith.constant 48 : index
        %get3A_204 = tpu.vector_load %arg9[%get3A_202, %get3A_203] {strides = array<i32>} : memref<128x128xf32, #tpu.memory_space<vmem>>, vector<16xf32>,
        %mul3A_205 = arith.mulf %get3A_204, %bitcast3A : vector<16xf32>
        %swap3A_206 = arith.index_cast %scan3A_171 : i32 to index
        %swap3A_207 = arith.constant 48 : index
        %swap3A_208 = tpu.vector_load %arg9[%swap3A_206, %swap3A_207] {strides = array<i32>} : memref<128x128xf32, #tpu.memory_space<vmem>>, vector<16xf32>,
        tpu.vector_store %arg9[%swap3A_206, %swap3A_207], %mul3A_205 {strides = array<i32>} : memref<128x128xf32, #tpu.memory_space<vmem>>, vector<16xf32>,
        %get3A_209 = arith.index_cast %scan3A_171 : i32 to index
        %get3A_210 = arith.constant 64 : index
        %get3A_211 = tpu.vector_load %arg9[%get3A_209, %get3A_210] {strides = array<i32>} : memref<128x128xf32, #tpu.memory_space<vmem>>, vector<16xf32>,
        %mul3A_212 = arith.mulf %get3A_211, %bitcast3A : vector<16xf32>
        %swap3A_213 = arith.index_cast %scan3A_171 : i32 to index
        %swap3A_214 = arith.constant 64 : index
        %swap3A_215 = tpu.vector_load %arg9[%swap3A_213, %swap3A_214] {strides = array<i32>} : memref<128x128xf32, #tpu.memory_space<vmem>>, vector<16xf32>,
        tpu.vector_store %arg9[%swap3A_213, %swap3A_214], %mul3A_212 {strides = array<i32>} : memref<128x128xf32, #tpu.memory_space<vmem>>, vector<16xf32>,
        %get3A_216 = arith.index_cast %scan3A_171 : i32 to index
        %get3A_217 = arith.constant 80 : index
        %get3A_218 = tpu.vector_load %arg9[%get3A_216, %get3A_217] {strides = array<i32>} : memref<128x128xf32, #tpu.memory_space<vmem>>, vector<16xf32>,
        %mul3A_219 = arith.mulf %get3A_218, %bitcast3A : vector<16xf32>
        %swap3A_220 = arith.index_cast %scan3A_171 : i32 to index
        %swap3A_221 = arith.constant 80 : index
        %swap3A_222 = tpu.vector_load %arg9[%swap3A_220, %swap3A_221] {strides = array<i32>} : memref<128x128xf32, #tpu.memory_space<vmem>>, vector<16xf32>,
        tpu.vector_store %arg9[%swap3A_220, %swap3A_221], %mul3A_219 {strides = array<i32>} : memref<128x128xf32, #tpu.memory_space<vmem>>, vector<16xf32>,
        %get3A_223 = arith.index_cast %scan3A_171 : i32 to index
        %get3A_224 = arith.constant 96 : index
        %get3A_225 = tpu.vector_load %arg9[%get3A_223, %get3A_224] {strides = array<i32>} : memref<128x128xf32, #tpu.memory_space<vmem>>, vector<16xf32>,
        %mul3A_226 = arith.mulf %get3A_225, %bitcast3A : vector<16xf32>
        %swap3A_227 = arith.index_cast %scan3A_171 : i32 to index
        %swap3A_228 = arith.constant 96 : index
        %swap3A_229 = tpu.vector_load %arg9[%swap3A_227, %swap3A_228] {strides = array<i32>} : memref<128x128xf32, #tpu.memory_space<vmem>>, vector<16xf32>,
        tpu.vector_store %arg9[%swap3A_227, %swap3A_228], %mul3A_226 {strides = array<i32>} : memref<128x128xf32, #tpu.memory_space<vmem>>, vector<16xf32>,
        %get3A_230 = arith.index_cast %scan3A_171 : i32 to index
        %get3A_231 = arith.constant 112 : index
        %get3A_232 = tpu.vector_load %arg9[%get3A_230, %get3A_231] {strides = array<i32>} : memref<128x128xf32, #tpu.memory_space<vmem>>, vector<16xf32>,
        %mul3A_233 = arith.mulf %get3A_232, %bitcast3A : vector<16xf32>
        %swap3A_234 = arith.index_cast %scan3A_171 : i32 to index
        %swap3A_235 = arith.constant 112 : index
        %swap3A_236 = tpu.vector_load %arg9[%swap3A_234, %swap3A_235] {strides = array<i32>} : memref<128x128xf32, #tpu.memory_space<vmem>>, vector<16xf32>,
        tpu.vector_store %arg9[%swap3A_234, %swap3A_235], %mul3A_233 {strides = array<i32>} : memref<128x128xf32, #tpu.memory_space<vmem>>, vector<16xf32>,
        %scan3A_237 = arith.constant 0 : i32
        scf.yield %scan3A_237 : i32
      }
      %scan3A_169 = arith.constant 128 : i32
      %run_scoped3A = arith.constant 0 : i32
      "tpu.region"() ({
        %run_scoped3A_171 = tpu.sem_alloc : memref<!tpu.dma_semaphore, #tpu.memory_space<semaphore_mem>>
        %dma_start3A_172 = arith.constant 0 : i32
        %dma_start3A_173 = tpu.memref_slice %arg7[%run_scoped3A, %dma_start3A_172] : memref<3x128xi32, #tpu.memory_space<vmem>> -> memref<1x128xi32, #tpu.memory_space<vmem>>
        %dma_start3A_174 = tpu.memref_squeeze %dma_start3A_173 : memref<1x128xi32, #tpu.memory_space<vmem>> -> memref<128xi32, #tpu.memory_space<vmem>>
        %dma_start3A_175 = arith.constant 0 : i32
        %dma_start3A_176 = arith.constant 0 : i32
        %dma_start3A_177 = tpu.memref_slice %arg6[%dma_start3A_175, %dma_start3A_176] : memref<10240x128xf32, #tpu.memory_space<vmem_shared>> -> memref<10240x128xf32, #tpu.memory_space<vmem_shared>>
        tpu.enqueue_indirect_dma source(%arg9 : memref<128x128xf32, #tpu.memory_space<vmem>>) target(%dma_start3A_177 : memref<10240x128xf32, #tpu.memory_space<vmem_shared>>) offsets(%dma_start3A_174 : memref<128xi32, #tpu.memory_space<vmem>>) semaphore(%run_scoped3A_171 : memref<!tpu.dma_semaphore, #tpu.memory_space<semaphore_mem>>) {add = true}
        %dma_wait3A_178 = arith.constant 0 : i32
        %dma_wait3A_179 = tpu.memref_slice %arg7[%run_scoped3A, %dma_wait3A_178] : memref<3x128xi32, #tpu.memory_space<vmem>> -> memref<1x128xi32, #tpu.memory_space<vmem>>
        %dma_wait3A_180 = tpu.memref_squeeze %dma_wait3A_179 : memref<1x128xi32, #tpu.memory_space<vmem>> -> memref<128xi32, #tpu.memory_space<vmem>>
        %dma_wait3A_181 = arith.constant 0 : i32
        %dma_wait3A_182 = arith.constant 0 : i32
        %dma_wait3A_183 = tpu.memref_slice %arg6[%dma_wait3A_181, %dma_wait3A_182] : memref<10240x128xf32, #tpu.memory_space<vmem_shared>> -> memref<10240x128xf32, #tpu.memory_space<vmem_shared>>
        tpu.wait_indirect_dma semaphore(%run_scoped3A_171 : memref<!tpu.dma_semaphore, #tpu.memory_space<semaphore_mem>>) src(%arg9 : memref<128x128xf32, #tpu.memory_space<vmem>>) dst(%dma_wait3A_183 : memref<10240x128xf32, #tpu.memory_space<vmem_shared>>)
        tpu.yield
      }) : () -> ()
      %while3A_170 = arith.constant 0 : i32
      scf.yield %while3A_170 : i32
    }
    %barrier3A_36 = arith.constant 0 : index
    tpu.barrier barrier_id(%barrier3A_36)
    %add3A_37 = arith.constant 0 : i32
    %add3A_38 = arith.addi %mul3A_7, %add3A_37 : i32
    "tpu.region"() ({
      %run_scoped3A = tpu.sem_alloc : memref<!tpu.dma_semaphore, #tpu.memory_space<semaphore_mem>>
      %dma_start3A = arith.constant 0 : i32
      %dma_start3A_92 = arith.constant 0 : i32
      %dma_start3A_93 = tpu.memref_slice %arg9[%dma_start3A, %dma_start3A_92] : memref<128x128xf32, #tpu.memory_space<vmem>> -> memref<128x128xf32, #tpu.memory_space<vmem>>
      %dma_start3A_94 = arith.constant 0 : i32
      %dma_start3A_95 = tpu.memref_slice %arg6[%add3A_38, %dma_start3A_94] : memref<10240x128xf32, #tpu.memory_space<vmem_shared>> -> memref<128x128xf32, #tpu.memory_space<vmem_shared>>
      %dma_start3A_96 = arith.constant 0 : i32
      %dma_start3A_97 = arith.constant 0 : i32
      %dma_start3A_98 = tpu.memref_slice %arg9[%dma_start3A_96, %dma_start3A_97] : memref<128x128xf32, #tpu.memory_space<vmem>> -> memref<128x128xf32, #tpu.memory_space<vmem>>
      %dma_start3A_99 = arith.constant 0 : i32
      %dma_start3A_100 = tpu.memref_slice %arg6[%add3A_38, %dma_start3A_99] : memref<10240x128xf32, #tpu.memory_space<vmem_shared>> -> memref<128x128xf32, #tpu.memory_space<vmem_shared>>
      tpu.enqueue_dma source(%dma_start3A_100 : memref<128x128xf32, #tpu.memory_space<vmem_shared>>) target(%dma_start3A_98 : memref<128x128xf32, #tpu.memory_space<vmem>>) target_semaphore(%run_scoped3A : memref<!tpu.dma_semaphore, #tpu.memory_space<semaphore_mem>>)
      %dma_wait3A = arith.constant 0 : i32
      %dma_wait3A_101 = arith.constant 0 : i32
      %dma_wait3A_102 = tpu.memref_slice %arg9[%dma_wait3A, %dma_wait3A_101] : memref<128x128xf32, #tpu.memory_space<vmem>> -> memref<128x128xf32, #tpu.memory_space<vmem>>
      %dma_wait3A_103 = arith.constant 0 : i32
      %dma_wait3A_104 = tpu.memref_slice %arg6[%add3A_38, %dma_wait3A_103] : memref<10240x128xf32, #tpu.memory_space<vmem_shared>> -> memref<128x128xf32, #tpu.memory_space<vmem_shared>>
      %dma_wait3A_105 = arith.constant 0 : i32
      %dma_wait3A_106 = arith.constant 0 : i32
      %dma_wait3A_107 = tpu.memref_slice %arg9[%dma_wait3A_105, %dma_wait3A_106] : memref<128x128xf32, #tpu.memory_space<vmem>> -> memref<128x128xf32, #tpu.memory_space<vmem>>
      %dma_wait3A_108 = arith.constant 0 : i32
      %dma_wait3A_109 = tpu.memref_slice %arg6[%add3A_38, %dma_wait3A_108] : memref<10240x128xf32, #tpu.memory_space<vmem_shared>> -> memref<128x128xf32, #tpu.memory_space<vmem_shared>>
      tpu.wait_dma2 semaphore(%run_scoped3A : memref<!tpu.dma_semaphore, #tpu.memory_space<semaphore_mem>>) src(%dma_wait3A_109 : memref<128x128xf32, #tpu.memory_space<vmem_shared>>) dst(%dma_wait3A_107 : memref<128x128xf32, #tpu.memory_space<vmem>>)
      tpu.yield
    }) : () -> ()
    %scan3A_39 = arith.constant 0 : i32
    %scan3A_40 = arith.constant 0 : i32
    %scan3A_41 = arith.constant 128 : i32
    %scan3A_42 = arith.addi %scan3A_40, %scan3A_41 : i32
    %scan3A_43 = arith.constant 1 : i32
    %scan3A_44 = scf.for %scan3A_92 = %scan3A_40 to %scan3A_42 step %scan3A_43 iter_args(%scan3A_93 = %scan3A_39) -> (i32)  : i32 {
      %get3A = arith.index_cast %scan3A_92 : i32 to index
      %get3A_94 = arith.constant 0 : index
      %get3A_95 = tpu.vector_load %arg9[%get3A, %get3A_94] {strides = array<i32>} : memref<128x128xf32, #tpu.memory_space<vmem>>, vector<16xf32>,
      %get3A_96 = arith.constant 0 : index
      %get3A_97 = tpu.vector_load %arg10[%get3A_96] {strides = array<i32>} : memref<128xf32, #tpu.memory_space<vmem>>, vector<16xf32>,
      %ge3A = arith.constant 0.000000e+00 : f32
      %ge3A_98 = vector.broadcast %ge3A : f32 to vector<16xf32>
      %ge3A_99 = arith.cmpf oge, %get3A_95, %ge3A_98 : vector<16xf32>
      %mul3A_100 = arith.mulf %get3A_97, %get3A_95 : vector<16xf32>
      %select_n3A_101 = arith.select %ge3A_99, %get3A_95, %mul3A_100 : vector<16xi1>, vector<16xf32>
      %swap3A = arith.index_cast %scan3A_92 : i32 to index
      %swap3A_102 = arith.constant 0 : index
      %swap3A_103 = tpu.vector_load %arg9[%swap3A, %swap3A_102] {strides = array<i32>} : memref<128x128xf32, #tpu.memory_space<vmem>>, vector<16xf32>,
      tpu.vector_store %arg9[%swap3A, %swap3A_102], %select_n3A_101 {strides = array<i32>} : memref<128x128xf32, #tpu.memory_space<vmem>>, vector<16xf32>,
      %get3A_104 = arith.index_cast %scan3A_92 : i32 to index
      %get3A_105 = arith.constant 16 : index
      %get3A_106 = tpu.vector_load %arg9[%get3A_104, %get3A_105] {strides = array<i32>} : memref<128x128xf32, #tpu.memory_space<vmem>>, vector<16xf32>,
      %get3A_107 = arith.constant 16 : index
      %get3A_108 = tpu.vector_load %arg10[%get3A_107] {strides = array<i32>} : memref<128xf32, #tpu.memory_space<vmem>>, vector<16xf32>,
      %ge3A_109 = arith.constant 0.000000e+00 : f32
      %ge3A_110 = vector.broadcast %ge3A_109 : f32 to vector<16xf32>
      %ge3A_111 = arith.cmpf oge, %get3A_106, %ge3A_110 : vector<16xf32>
      %mul3A_112 = arith.mulf %get3A_108, %get3A_106 : vector<16xf32>
      %select_n3A_113 = arith.select %ge3A_111, %get3A_106, %mul3A_112 : vector<16xi1>, vector<16xf32>
      %swap3A_114 = arith.index_cast %scan3A_92 : i32 to index
      %swap3A_115 = arith.constant 16 : index
      %swap3A_116 = tpu.vector_load %arg9[%swap3A_114, %swap3A_115] {strides = array<i32>} : memref<128x128xf32, #tpu.memory_space<vmem>>, vector<16xf32>,
      tpu.vector_store %arg9[%swap3A_114, %swap3A_115], %select_n3A_113 {strides = array<i32>} : memref<128x128xf32, #tpu.memory_space<vmem>>, vector<16xf32>,
      %get3A_117 = arith.index_cast %scan3A_92 : i32 to index
      %get3A_118 = arith.constant 32 : index
      %get3A_119 = tpu.vector_load %arg9[%get3A_117, %get3A_118] {strides = array<i32>} : memref<128x128xf32, #tpu.memory_space<vmem>>, vector<16xf32>,
      %get3A_120 = arith.constant 32 : index
      %get3A_121 = tpu.vector_load %arg10[%get3A_120] {strides = array<i32>} : memref<128xf32, #tpu.memory_space<vmem>>, vector<16xf32>,
      %ge3A_122 = arith.constant 0.000000e+00 : f32
      %ge3A_123 = vector.broadcast %ge3A_122 : f32 to vector<16xf32>
      %ge3A_124 = arith.cmpf oge, %get3A_119, %ge3A_123 : vector<16xf32>
      %mul3A_125 = arith.mulf %get3A_121, %get3A_119 : vector<16xf32>
      %select_n3A_126 = arith.select %ge3A_124, %get3A_119, %mul3A_125 : vector<16xi1>, vector<16xf32>
      %swap3A_127 = arith.index_cast %scan3A_92 : i32 to index
      %swap3A_128 = arith.constant 32 : index
      %swap3A_129 = tpu.vector_load %arg9[%swap3A_127, %swap3A_128] {strides = array<i32>} : memref<128x128xf32, #tpu.memory_space<vmem>>, vector<16xf32>,
      tpu.vector_store %arg9[%swap3A_127, %swap3A_128], %select_n3A_126 {strides = array<i32>} : memref<128x128xf32, #tpu.memory_space<vmem>>, vector<16xf32>,
      %get3A_130 = arith.index_cast %scan3A_92 : i32 to index
      %get3A_131 = arith.constant 48 : index
      %get3A_132 = tpu.vector_load %arg9[%get3A_130, %get3A_131] {strides = array<i32>} : memref<128x128xf32, #tpu.memory_space<vmem>>, vector<16xf32>,
      %get3A_133 = arith.constant 48 : index
      %get3A_134 = tpu.vector_load %arg10[%get3A_133] {strides = array<i32>} : memref<128xf32, #tpu.memory_space<vmem>>, vector<16xf32>,
      %ge3A_135 = arith.constant 0.000000e+00 : f32
      %ge3A_136 = vector.broadcast %ge3A_135 : f32 to vector<16xf32>
      %ge3A_137 = arith.cmpf oge, %get3A_132, %ge3A_136 : vector<16xf32>
      %mul3A_138 = arith.mulf %get3A_134, %get3A_132 : vector<16xf32>
      %select_n3A_139 = arith.select %ge3A_137, %get3A_132, %mul3A_138 : vector<16xi1>, vector<16xf32>
      %swap3A_140 = arith.index_cast %scan3A_92 : i32 to index
      %swap3A_141 = arith.constant 48 : index
      %swap3A_142 = tpu.vector_load %arg9[%swap3A_140, %swap3A_141] {strides = array<i32>} : memref<128x128xf32, #tpu.memory_space<vmem>>, vector<16xf32>,
      tpu.vector_store %arg9[%swap3A_140, %swap3A_141], %select_n3A_139 {strides = array<i32>} : memref<128x128xf32, #tpu.memory_space<vmem>>, vector<16xf32>,
      %get3A_143 = arith.index_cast %scan3A_92 : i32 to index
      %get3A_144 = arith.constant 64 : index
      %get3A_145 = tpu.vector_load %arg9[%get3A_143, %get3A_144] {strides = array<i32>} : memref<128x128xf32, #tpu.memory_space<vmem>>, vector<16xf32>,
      %get3A_146 = arith.constant 64 : index
      %get3A_147 = tpu.vector_load %arg10[%get3A_146] {strides = array<i32>} : memref<128xf32, #tpu.memory_space<vmem>>, vector<16xf32>,
      %ge3A_148 = arith.constant 0.000000e+00 : f32
      %ge3A_149 = vector.broadcast %ge3A_148 : f32 to vector<16xf32>
      %ge3A_150 = arith.cmpf oge, %get3A_145, %ge3A_149 : vector<16xf32>
      %mul3A_151 = arith.mulf %get3A_147, %get3A_145 : vector<16xf32>
      %select_n3A_152 = arith.select %ge3A_150, %get3A_145, %mul3A_151 : vector<16xi1>, vector<16xf32>
      %swap3A_153 = arith.index_cast %scan3A_92 : i32 to index
      %swap3A_154 = arith.constant 64 : index
      %swap3A_155 = tpu.vector_load %arg9[%swap3A_153, %swap3A_154] {strides = array<i32>} : memref<128x128xf32, #tpu.memory_space<vmem>>, vector<16xf32>,
      tpu.vector_store %arg9[%swap3A_153, %swap3A_154], %select_n3A_152 {strides = array<i32>} : memref<128x128xf32, #tpu.memory_space<vmem>>, vector<16xf32>,
      %get3A_156 = arith.index_cast %scan3A_92 : i32 to index
      %get3A_157 = arith.constant 80 : index
      %get3A_158 = tpu.vector_load %arg9[%get3A_156, %get3A_157] {strides = array<i32>} : memref<128x128xf32, #tpu.memory_space<vmem>>, vector<16xf32>,
      %get3A_159 = arith.constant 80 : index
      %get3A_160 = tpu.vector_load %arg10[%get3A_159] {strides = array<i32>} : memref<128xf32, #tpu.memory_space<vmem>>, vector<16xf32>,
      %ge3A_161 = arith.constant 0.000000e+00 : f32
      %ge3A_162 = vector.broadcast %ge3A_161 : f32 to vector<16xf32>
      %ge3A_163 = arith.cmpf oge, %get3A_158, %ge3A_162 : vector<16xf32>
      %mul3A_164 = arith.mulf %get3A_160, %get3A_158 : vector<16xf32>
      %select_n3A_165 = arith.select %ge3A_163, %get3A_158, %mul3A_164 : vector<16xi1>, vector<16xf32>
      %swap3A_166 = arith.index_cast %scan3A_92 : i32 to index
      %swap3A_167 = arith.constant 80 : index
      %swap3A_168 = tpu.vector_load %arg9[%swap3A_166, %swap3A_167] {strides = array<i32>} : memref<128x128xf32, #tpu.memory_space<vmem>>, vector<16xf32>,
      tpu.vector_store %arg9[%swap3A_166, %swap3A_167], %select_n3A_165 {strides = array<i32>} : memref<128x128xf32, #tpu.memory_space<vmem>>, vector<16xf32>,
      %get3A_169 = arith.index_cast %scan3A_92 : i32 to index
      %get3A_170 = arith.constant 96 : index
      %get3A_171 = tpu.vector_load %arg9[%get3A_169, %get3A_170] {strides = array<i32>} : memref<128x128xf32, #tpu.memory_space<vmem>>, vector<16xf32>,
      %get3A_172 = arith.constant 96 : index
      %get3A_173 = tpu.vector_load %arg10[%get3A_172] {strides = array<i32>} : memref<128xf32, #tpu.memory_space<vmem>>, vector<16xf32>,
      %ge3A_174 = arith.constant 0.000000e+00 : f32
      %ge3A_175 = vector.broadcast %ge3A_174 : f32 to vector<16xf32>
      %ge3A_176 = arith.cmpf oge, %get3A_171, %ge3A_175 : vector<16xf32>
      %mul3A_177 = arith.mulf %get3A_173, %get3A_171 : vector<16xf32>
      %select_n3A_178 = arith.select %ge3A_176, %get3A_171, %mul3A_177 : vector<16xi1>, vector<16xf32>
      %swap3A_179 = arith.index_cast %scan3A_92 : i32 to index
      %swap3A_180 = arith.constant 96 : index
      %swap3A_181 = tpu.vector_load %arg9[%swap3A_179, %swap3A_180] {strides = array<i32>} : memref<128x128xf32, #tpu.memory_space<vmem>>, vector<16xf32>,
      tpu.vector_store %arg9[%swap3A_179, %swap3A_180], %select_n3A_178 {strides = array<i32>} : memref<128x128xf32, #tpu.memory_space<vmem>>, vector<16xf32>,
      %get3A_182 = arith.index_cast %scan3A_92 : i32 to index
      %get3A_183 = arith.constant 112 : index
      %get3A_184 = tpu.vector_load %arg9[%get3A_182, %get3A_183] {strides = array<i32>} : memref<128x128xf32, #tpu.memory_space<vmem>>, vector<16xf32>,
      %get3A_185 = arith.constant 112 : index
      %get3A_186 = tpu.vector_load %arg10[%get3A_185] {strides = array<i32>} : memref<128xf32, #tpu.memory_space<vmem>>, vector<16xf32>,
      %ge3A_187 = arith.constant 0.000000e+00 : f32
      %ge3A_188 = vector.broadcast %ge3A_187 : f32 to vector<16xf32>
      %ge3A_189 = arith.cmpf oge, %get3A_184, %ge3A_188 : vector<16xf32>
      %mul3A_190 = arith.mulf %get3A_186, %get3A_184 : vector<16xf32>
      %select_n3A_191 = arith.select %ge3A_189, %get3A_184, %mul3A_190 : vector<16xi1>, vector<16xf32>
      %swap3A_192 = arith.index_cast %scan3A_92 : i32 to index
      %swap3A_193 = arith.constant 112 : index
      %swap3A_194 = tpu.vector_load %arg9[%swap3A_192, %swap3A_193] {strides = array<i32>} : memref<128x128xf32, #tpu.memory_space<vmem>>, vector<16xf32>,
      tpu.vector_store %arg9[%swap3A_192, %swap3A_193], %select_n3A_191 {strides = array<i32>} : memref<128x128xf32, #tpu.memory_space<vmem>>, vector<16xf32>,
      %scan3A_195 = arith.constant 0 : i32
      scf.yield %scan3A_195 : i32
    }
    %scan3A_45 = arith.constant 128 : i32
    %mul3A_46 = arith.constant 128 : i32
    %mul3A_47 = arith.muli %arg0, %mul3A_46 : i32
    "tpu.region"() ({
      %run_scoped3A = tpu.sem_alloc : memref<!tpu.dma_semaphore, #tpu.memory_space<semaphore_mem>>
      %dma_start3A = arith.constant 0 : i32
      %dma_start3A_92 = arith.constant 0 : i32
      %dma_start3A_93 = tpu.memref_slice %arg9[%dma_start3A, %dma_start3A_92] : memref<128x128xf32, #tpu.memory_space<vmem>> -> memref<128x128xf32, #tpu.memory_space<vmem>>
      %dma_start3A_94 = tpu.memref_slice %arg5[%add3A_38, %mul3A_47] : memref<10240x256xf32, #tpu.memory_space<hbm>> -> memref<128x128xf32, #tpu.memory_space<hbm>>
      %dma_start3A_95 = tpu.memref_slice %arg5[%add3A_38, %mul3A_47] : memref<10240x256xf32, #tpu.memory_space<hbm>> -> memref<128x128xf32, #tpu.memory_space<hbm>>
      %dma_start3A_96 = arith.constant 0 : i32
      %dma_start3A_97 = arith.constant 0 : i32
      %dma_start3A_98 = tpu.memref_slice %arg9[%dma_start3A_96, %dma_start3A_97] : memref<128x128xf32, #tpu.memory_space<vmem>> -> memref<128x128xf32, #tpu.memory_space<vmem>>
      tpu.enqueue_dma source(%dma_start3A_98 : memref<128x128xf32, #tpu.memory_space<vmem>>) target(%dma_start3A_95 : memref<128x128xf32, #tpu.memory_space<hbm>>) target_semaphore(%run_scoped3A : memref<!tpu.dma_semaphore, #tpu.memory_space<semaphore_mem>>)
      %dma_wait3A = arith.constant 0 : i32
      %dma_wait3A_99 = arith.constant 0 : i32
      %dma_wait3A_100 = tpu.memref_slice %arg9[%dma_wait3A, %dma_wait3A_99] : memref<128x128xf32, #tpu.memory_space<vmem>> -> memref<128x128xf32, #tpu.memory_space<vmem>>
      %dma_wait3A_101 = tpu.memref_slice %arg5[%add3A_38, %mul3A_47] : memref<10240x256xf32, #tpu.memory_space<hbm>> -> memref<128x128xf32, #tpu.memory_space<hbm>>
      %dma_wait3A_102 = tpu.memref_slice %arg5[%add3A_38, %mul3A_47] : memref<10240x256xf32, #tpu.memory_space<hbm>> -> memref<128x128xf32, #tpu.memory_space<hbm>>
      %dma_wait3A_103 = arith.constant 0 : i32
      %dma_wait3A_104 = arith.constant 0 : i32
      %dma_wait3A_105 = tpu.memref_slice %arg9[%dma_wait3A_103, %dma_wait3A_104] : memref<128x128xf32, #tpu.memory_space<vmem>> -> memref<128x128xf32, #tpu.memory_space<vmem>>
      tpu.wait_dma2 semaphore(%run_scoped3A : memref<!tpu.dma_semaphore, #tpu.memory_space<semaphore_mem>>) src(%dma_wait3A_105 : memref<128x128xf32, #tpu.memory_space<vmem>>) dst(%dma_wait3A_102 : memref<128x128xf32, #tpu.memory_space<hbm>>)
      tpu.yield
    }) : () -> ()
    %add3A_48 = arith.constant 128 : i32
    %add3A_49 = arith.addi %mul3A_7, %add3A_48 : i32
    "tpu.region"() ({
      %run_scoped3A = tpu.sem_alloc : memref<!tpu.dma_semaphore, #tpu.memory_space<semaphore_mem>>
      %dma_start3A = arith.constant 0 : i32
      %dma_start3A_92 = arith.constant 0 : i32
      %dma_start3A_93 = tpu.memref_slice %arg9[%dma_start3A, %dma_start3A_92] : memref<128x128xf32, #tpu.memory_space<vmem>> -> memref<128x128xf32, #tpu.memory_space<vmem>>
      %dma_start3A_94 = arith.constant 0 : i32
      %dma_start3A_95 = tpu.memref_slice %arg6[%add3A_49, %dma_start3A_94] : memref<10240x128xf32, #tpu.memory_space<vmem_shared>> -> memref<128x128xf32, #tpu.memory_space<vmem_shared>>
      %dma_start3A_96 = arith.constant 0 : i32
      %dma_start3A_97 = arith.constant 0 : i32
      %dma_start3A_98 = tpu.memref_slice %arg9[%dma_start3A_96, %dma_start3A_97] : memref<128x128xf32, #tpu.memory_space<vmem>> -> memref<128x128xf32, #tpu.memory_space<vmem>>
      %dma_start3A_99 = arith.constant 0 : i32
      %dma_start3A_100 = tpu.memref_slice %arg6[%add3A_49, %dma_start3A_99] : memref<10240x128xf32, #tpu.memory_space<vmem_shared>> -> memref<128x128xf32, #tpu.memory_space<vmem_shared>>
      tpu.enqueue_dma source(%dma_start3A_100 : memref<128x128xf32, #tpu.memory_space<vmem_shared>>) target(%dma_start3A_98 : memref<128x128xf32, #tpu.memory_space<vmem>>) target_semaphore(%run_scoped3A : memref<!tpu.dma_semaphore, #tpu.memory_space<semaphore_mem>>)
      %dma_wait3A = arith.constant 0 : i32
      %dma_wait3A_101 = arith.constant 0 : i32
      %dma_wait3A_102 = tpu.memref_slice %arg9[%dma_wait3A, %dma_wait3A_101] : memref<128x128xf32, #tpu.memory_space<vmem>> -> memref<128x128xf32, #tpu.memory_space<vmem>>
      %dma_wait3A_103 = arith.constant 0 : i32
      %dma_wait3A_104 = tpu.memref_slice %arg6[%add3A_49, %dma_wait3A_103] : memref<10240x128xf32, #tpu.memory_space<vmem_shared>> -> memref<128x128xf32, #tpu.memory_space<vmem_shared>>
      %dma_wait3A_105 = arith.constant 0 : i32
      %dma_wait3A_106 = arith.constant 0 : i32
      %dma_wait3A_107 = tpu.memref_slice %arg9[%dma_wait3A_105, %dma_wait3A_106] : memref<128x128xf32, #tpu.memory_space<vmem>> -> memref<128x128xf32, #tpu.memory_space<vmem>>
      %dma_wait3A_108 = arith.constant 0 : i32
      %dma_wait3A_109 = tpu.memref_slice %arg6[%add3A_49, %dma_wait3A_108] : memref<10240x128xf32, #tpu.memory_space<vmem_shared>> -> memref<128x128xf32, #tpu.memory_space<vmem_shared>>
      tpu.wait_dma2 semaphore(%run_scoped3A : memref<!tpu.dma_semaphore, #tpu.memory_space<semaphore_mem>>) src(%dma_wait3A_109 : memref<128x128xf32, #tpu.memory_space<vmem_shared>>) dst(%dma_wait3A_107 : memref<128x128xf32, #tpu.memory_space<vmem>>)
      tpu.yield
    }) : () -> ()
    %scan3A_50 = arith.constant 0 : i32
    %scan3A_51 = arith.constant 0 : i32
    %scan3A_52 = arith.constant 128 : i32
    %scan3A_53 = arith.addi %scan3A_51, %scan3A_52 : i32
    %scan3A_54 = arith.constant 1 : i32
    %scan3A_55 = scf.for %scan3A_92 = %scan3A_51 to %scan3A_53 step %scan3A_54 iter_args(%scan3A_93 = %scan3A_50) -> (i32)  : i32 {
      %get3A = arith.index_cast %scan3A_92 : i32 to index
      %get3A_94 = arith.constant 0 : index
      %get3A_95 = tpu.vector_load %arg9[%get3A, %get3A_94] {strides = array<i32>} : memref<128x128xf32, #tpu.memory_space<vmem>>, vector<16xf32>,
      %get3A_96 = arith.constant 0 : index
      %get3A_97 = tpu.vector_load %arg10[%get3A_96] {strides = array<i32>} : memref<128xf32, #tpu.memory_space<vmem>>, vector<16xf32>,
      %ge3A = arith.constant 0.000000e+00 : f32
      %ge3A_98 = vector.broadcast %ge3A : f32 to vector<16xf32>
      %ge3A_99 = arith.cmpf oge, %get3A_95, %ge3A_98 : vector<16xf32>
      %mul3A_100 = arith.mulf %get3A_97, %get3A_95 : vector<16xf32>
      %select_n3A_101 = arith.select %ge3A_99, %get3A_95, %mul3A_100 : vector<16xi1>, vector<16xf32>
      %swap3A = arith.index_cast %scan3A_92 : i32 to index
      %swap3A_102 = arith.constant 0 : index
      %swap3A_103 = tpu.vector_load %arg9[%swap3A, %swap3A_102] {strides = array<i32>} : memref<128x128xf32, #tpu.memory_space<vmem>>, vector<16xf32>,
      tpu.vector_store %arg9[%swap3A, %swap3A_102], %select_n3A_101 {strides = array<i32>} : memref<128x128xf32, #tpu.memory_space<vmem>>, vector<16xf32>,
      %get3A_104 = arith.index_cast %scan3A_92 : i32 to index
      %get3A_105 = arith.constant 16 : index
      %get3A_106 = tpu.vector_load %arg9[%get3A_104, %get3A_105] {strides = array<i32>} : memref<128x128xf32, #tpu.memory_space<vmem>>, vector<16xf32>,
      %get3A_107 = arith.constant 16 : index
      %get3A_108 = tpu.vector_load %arg10[%get3A_107] {strides = array<i32>} : memref<128xf32, #tpu.memory_space<vmem>>, vector<16xf32>,
      %ge3A_109 = arith.constant 0.000000e+00 : f32
      %ge3A_110 = vector.broadcast %ge3A_109 : f32 to vector<16xf32>
      %ge3A_111 = arith.cmpf oge, %get3A_106, %ge3A_110 : vector<16xf32>
      %mul3A_112 = arith.mulf %get3A_108, %get3A_106 : vector<16xf32>
      %select_n3A_113 = arith.select %ge3A_111, %get3A_106, %mul3A_112 : vector<16xi1>, vector<16xf32>
      %swap3A_114 = arith.index_cast %scan3A_92 : i32 to index
      %swap3A_115 = arith.constant 16 : index
      %swap3A_116 = tpu.vector_load %arg9[%swap3A_114, %swap3A_115] {strides = array<i32>} : memref<128x128xf32, #tpu.memory_space<vmem>>, vector<16xf32>,
      tpu.vector_store %arg9[%swap3A_114, %swap3A_115], %select_n3A_113 {strides = array<i32>} : memref<128x128xf32, #tpu.memory_space<vmem>>, vector<16xf32>,
      %get3A_117 = arith.index_cast %scan3A_92 : i32 to index
      %get3A_118 = arith.constant 32 : index
      %get3A_119 = tpu.vector_load %arg9[%get3A_117, %get3A_118] {strides = array<i32>} : memref<128x128xf32, #tpu.memory_space<vmem>>, vector<16xf32>,
      %get3A_120 = arith.constant 32 : index
      %get3A_121 = tpu.vector_load %arg10[%get3A_120] {strides = array<i32>} : memref<128xf32, #tpu.memory_space<vmem>>, vector<16xf32>,
      %ge3A_122 = arith.constant 0.000000e+00 : f32
      %ge3A_123 = vector.broadcast %ge3A_122 : f32 to vector<16xf32>
      %ge3A_124 = arith.cmpf oge, %get3A_119, %ge3A_123 : vector<16xf32>
      %mul3A_125 = arith.mulf %get3A_121, %get3A_119 : vector<16xf32>
      %select_n3A_126 = arith.select %ge3A_124, %get3A_119, %mul3A_125 : vector<16xi1>, vector<16xf32>
      %swap3A_127 = arith.index_cast %scan3A_92 : i32 to index
      %swap3A_128 = arith.constant 32 : index
      %swap3A_129 = tpu.vector_load %arg9[%swap3A_127, %swap3A_128] {strides = array<i32>} : memref<128x128xf32, #tpu.memory_space<vmem>>, vector<16xf32>,
      tpu.vector_store %arg9[%swap3A_127, %swap3A_128], %select_n3A_126 {strides = array<i32>} : memref<128x128xf32, #tpu.memory_space<vmem>>, vector<16xf32>,
      %get3A_130 = arith.index_cast %scan3A_92 : i32 to index
      %get3A_131 = arith.constant 48 : index
      %get3A_132 = tpu.vector_load %arg9[%get3A_130, %get3A_131] {strides = array<i32>} : memref<128x128xf32, #tpu.memory_space<vmem>>, vector<16xf32>,
      %get3A_133 = arith.constant 48 : index
      %get3A_134 = tpu.vector_load %arg10[%get3A_133] {strides = array<i32>} : memref<128xf32, #tpu.memory_space<vmem>>, vector<16xf32>,
      %ge3A_135 = arith.constant 0.000000e+00 : f32
      %ge3A_136 = vector.broadcast %ge3A_135 : f32 to vector<16xf32>
      %ge3A_137 = arith.cmpf oge, %get3A_132, %ge3A_136 : vector<16xf32>
      %mul3A_138 = arith.mulf %get3A_134, %get3A_132 : vector<16xf32>
      %select_n3A_139 = arith.select %ge3A_137, %get3A_132, %mul3A_138 : vector<16xi1>, vector<16xf32>
      %swap3A_140 = arith.index_cast %scan3A_92 : i32 to index
      %swap3A_141 = arith.constant 48 : index
      %swap3A_142 = tpu.vector_load %arg9[%swap3A_140, %swap3A_141] {strides = array<i32>} : memref<128x128xf32, #tpu.memory_space<vmem>>, vector<16xf32>,
      tpu.vector_store %arg9[%swap3A_140, %swap3A_141], %select_n3A_139 {strides = array<i32>} : memref<128x128xf32, #tpu.memory_space<vmem>>, vector<16xf32>,
      %get3A_143 = arith.index_cast %scan3A_92 : i32 to index
      %get3A_144 = arith.constant 64 : index
      %get3A_145 = tpu.vector_load %arg9[%get3A_143, %get3A_144] {strides = array<i32>} : memref<128x128xf32, #tpu.memory_space<vmem>>, vector<16xf32>,
      %get3A_146 = arith.constant 64 : index
      %get3A_147 = tpu.vector_load %arg10[%get3A_146] {strides = array<i32>} : memref<128xf32, #tpu.memory_space<vmem>>, vector<16xf32>,
      %ge3A_148 = arith.constant 0.000000e+00 : f32
      %ge3A_149 = vector.broadcast %ge3A_148 : f32 to vector<16xf32>
      %ge3A_150 = arith.cmpf oge, %get3A_145, %ge3A_149 : vector<16xf32>
      %mul3A_151 = arith.mulf %get3A_147, %get3A_145 : vector<16xf32>
      %select_n3A_152 = arith.select %ge3A_150, %get3A_145, %mul3A_151 : vector<16xi1>, vector<16xf32>
      %swap3A_153 = arith.index_cast %scan3A_92 : i32 to index
      %swap3A_154 = arith.constant 64 : index
      %swap3A_155 = tpu.vector_load %arg9[%swap3A_153, %swap3A_154] {strides = array<i32>} : memref<128x128xf32, #tpu.memory_space<vmem>>, vector<16xf32>,
      tpu.vector_store %arg9[%swap3A_153, %swap3A_154], %select_n3A_152 {strides = array<i32>} : memref<128x128xf32, #tpu.memory_space<vmem>>, vector<16xf32>,
      %get3A_156 = arith.index_cast %scan3A_92 : i32 to index
      %get3A_157 = arith.constant 80 : index
      %get3A_158 = tpu.vector_load %arg9[%get3A_156, %get3A_157] {strides = array<i32>} : memref<128x128xf32, #tpu.memory_space<vmem>>, vector<16xf32>,
      %get3A_159 = arith.constant 80 : index
      %get3A_160 = tpu.vector_load %arg10[%get3A_159] {strides = array<i32>} : memref<128xf32, #tpu.memory_space<vmem>>, vector<16xf32>,
      %ge3A_161 = arith.constant 0.000000e+00 : f32
      %ge3A_162 = vector.broadcast %ge3A_161 : f32 to vector<16xf32>
      %ge3A_163 = arith.cmpf oge, %get3A_158, %ge3A_162 : vector<16xf32>
      %mul3A_164 = arith.mulf %get3A_160, %get3A_158 : vector<16xf32>
      %select_n3A_165 = arith.select %ge3A_163, %get3A_158, %mul3A_164 : vector<16xi1>, vector<16xf32>
      %swap3A_166 = arith.index_cast %scan3A_92 : i32 to index
      %swap3A_167 = arith.constant 80 : index
      %swap3A_168 = tpu.vector_load %arg9[%swap3A_166, %swap3A_167] {strides = array<i32>} : memref<128x128xf32, #tpu.memory_space<vmem>>, vector<16xf32>,
      tpu.vector_store %arg9[%swap3A_166, %swap3A_167], %select_n3A_165 {strides = array<i32>} : memref<128x128xf32, #tpu.memory_space<vmem>>, vector<16xf32>,
      %get3A_169 = arith.index_cast %scan3A_92 : i32 to index
      %get3A_170 = arith.constant 96 : index
      %get3A_171 = tpu.vector_load %arg9[%get3A_169, %get3A_170] {strides = array<i32>} : memref<128x128xf32, #tpu.memory_space<vmem>>, vector<16xf32>,
      %get3A_172 = arith.constant 96 : index
      %get3A_173 = tpu.vector_load %arg10[%get3A_172] {strides = array<i32>} : memref<128xf32, #tpu.memory_space<vmem>>, vector<16xf32>,
      %ge3A_174 = arith.constant 0.000000e+00 : f32
      %ge3A_175 = vector.broadcast %ge3A_174 : f32 to vector<16xf32>
      %ge3A_176 = arith.cmpf oge, %get3A_171, %ge3A_175 : vector<16xf32>
      %mul3A_177 = arith.mulf %get3A_173, %get3A_171 : vector<16xf32>
      %select_n3A_178 = arith.select %ge3A_176, %get3A_171, %mul3A_177 : vector<16xi1>, vector<16xf32>
      %swap3A_179 = arith.index_cast %scan3A_92 : i32 to index
      %swap3A_180 = arith.constant 96 : index
      %swap3A_181 = tpu.vector_load %arg9[%swap3A_179, %swap3A_180] {strides = array<i32>} : memref<128x128xf32, #tpu.memory_space<vmem>>, vector<16xf32>,
      tpu.vector_store %arg9[%swap3A_179, %swap3A_180], %select_n3A_178 {strides = array<i32>} : memref<128x128xf32, #tpu.memory_space<vmem>>, vector<16xf32>,
      %get3A_182 = arith.index_cast %scan3A_92 : i32 to index
      %get3A_183 = arith.constant 112 : index
      %get3A_184 = tpu.vector_load %arg9[%get3A_182, %get3A_183] {strides = array<i32>} : memref<128x128xf32, #tpu.memory_space<vmem>>, vector<16xf32>,
      %get3A_185 = arith.constant 112 : index
      %get3A_186 = tpu.vector_load %arg10[%get3A_185] {strides = array<i32>} : memref<128xf32, #tpu.memory_space<vmem>>, vector<16xf32>,
      %ge3A_187 = arith.constant 0.000000e+00 : f32
      %ge3A_188 = vector.broadcast %ge3A_187 : f32 to vector<16xf32>
      %ge3A_189 = arith.cmpf oge, %get3A_184, %ge3A_188 : vector<16xf32>
      %mul3A_190 = arith.mulf %get3A_186, %get3A_184 : vector<16xf32>
      %select_n3A_191 = arith.select %ge3A_189, %get3A_184, %mul3A_190 : vector<16xi1>, vector<16xf32>
      %swap3A_192 = arith.index_cast %scan3A_92 : i32 to index
      %swap3A_193 = arith.constant 112 : index
      %swap3A_194 = tpu.vector_load %arg9[%swap3A_192, %swap3A_193] {strides = array<i32>} : memref<128x128xf32, #tpu.memory_space<vmem>>, vector<16xf32>,
      tpu.vector_store %arg9[%swap3A_192, %swap3A_193], %select_n3A_191 {strides = array<i32>} : memref<128x128xf32, #tpu.memory_space<vmem>>, vector<16xf32>,
      %scan3A_195 = arith.constant 0 : i32
      scf.yield %scan3A_195 : i32
    }
    %scan3A_56 = arith.constant 128 : i32
    %mul3A_57 = arith.constant 128 : i32
    %mul3A_58 = arith.muli %arg0, %mul3A_57 : i32
    "tpu.region"() ({
      %run_scoped3A = tpu.sem_alloc : memref<!tpu.dma_semaphore, #tpu.memory_space<semaphore_mem>>
      %dma_start3A = arith.constant 0 : i32
      %dma_start3A_92 = arith.constant 0 : i32
      %dma_start3A_93 = tpu.memref_slice %arg9[%dma_start3A, %dma_start3A_92] : memref<128x128xf32, #tpu.memory_space<vmem>> -> memref<128x128xf32, #tpu.memory_space<vmem>>
      %dma_start3A_94 = tpu.memref_slice %arg5[%add3A_49, %mul3A_58] : memref<10240x256xf32, #tpu.memory_space<hbm>> -> memref<128x128xf32, #tpu.memory_space<hbm>>
      %dma_start3A_95 = tpu.memref_slice %arg5[%add3A_49, %mul3A_58] : memref<10240x256xf32, #tpu.memory_space<hbm>> -> memref<128x128xf32, #tpu.memory_space<hbm>>
      %dma_start3A_96 = arith.constant 0 : i32
      %dma_start3A_97 = arith.constant 0 : i32
      %dma_start3A_98 = tpu.memref_slice %arg9[%dma_start3A_96, %dma_start3A_97] : memref<128x128xf32, #tpu.memory_space<vmem>> -> memref<128x128xf32, #tpu.memory_space<vmem>>
      tpu.enqueue_dma source(%dma_start3A_98 : memref<128x128xf32, #tpu.memory_space<vmem>>) target(%dma_start3A_95 : memref<128x128xf32, #tpu.memory_space<hbm>>) target_semaphore(%run_scoped3A : memref<!tpu.dma_semaphore, #tpu.memory_space<semaphore_mem>>)
      %dma_wait3A = arith.constant 0 : i32
      %dma_wait3A_99 = arith.constant 0 : i32
      %dma_wait3A_100 = tpu.memref_slice %arg9[%dma_wait3A, %dma_wait3A_99] : memref<128x128xf32, #tpu.memory_space<vmem>> -> memref<128x128xf32, #tpu.memory_space<vmem>>
      %dma_wait3A_101 = tpu.memref_slice %arg5[%add3A_49, %mul3A_58] : memref<10240x256xf32, #tpu.memory_space<hbm>> -> memref<128x128xf32, #tpu.memory_space<hbm>>
      %dma_wait3A_102 = tpu.memref_slice %arg5[%add3A_49, %mul3A_58] : memref<10240x256xf32, #tpu.memory_space<hbm>> -> memref<128x128xf32, #tpu.memory_space<hbm>>
      %dma_wait3A_103 = arith.constant 0 : i32
      %dma_wait3A_104 = arith.constant 0 : i32
      %dma_wait3A_105 = tpu.memref_slice %arg9[%dma_wait3A_103, %dma_wait3A_104] : memref<128x128xf32, #tpu.memory_space<vmem>> -> memref<128x128xf32, #tpu.memory_space<vmem>>
      tpu.wait_dma2 semaphore(%run_scoped3A : memref<!tpu.dma_semaphore, #tpu.memory_space<semaphore_mem>>) src(%dma_wait3A_105 : memref<128x128xf32, #tpu.memory_space<vmem>>) dst(%dma_wait3A_102 : memref<128x128xf32, #tpu.memory_space<hbm>>)
      tpu.yield
    }) : () -> ()
    %add3A_59 = arith.constant 256 : i32
    %add3A_60 = arith.addi %mul3A_7, %add3A_59 : i32
    "tpu.region"() ({
      %run_scoped3A = tpu.sem_alloc : memref<!tpu.dma_semaphore, #tpu.memory_space<semaphore_mem>>
      %dma_start3A = arith.constant 0 : i32
      %dma_start3A_92 = arith.constant 0 : i32
      %dma_start3A_93 = tpu.memref_slice %arg9[%dma_start3A, %dma_start3A_92] : memref<128x128xf32, #tpu.memory_space<vmem>> -> memref<128x128xf32, #tpu.memory_space<vmem>>
      %dma_start3A_94 = arith.constant 0 : i32
      %dma_start3A_95 = tpu.memref_slice %arg6[%add3A_60, %dma_start3A_94] : memref<10240x128xf32, #tpu.memory_space<vmem_shared>> -> memref<128x128xf32, #tpu.memory_space<vmem_shared>>
      %dma_start3A_96 = arith.constant 0 : i32
      %dma_start3A_97 = arith.constant 0 : i32
      %dma_start3A_98 = tpu.memref_slice %arg9[%dma_start3A_96, %dma_start3A_97] : memref<128x128xf32, #tpu.memory_space<vmem>> -> memref<128x128xf32, #tpu.memory_space<vmem>>
      %dma_start3A_99 = arith.constant 0 : i32
      %dma_start3A_100 = tpu.memref_slice %arg6[%add3A_60, %dma_start3A_99] : memref<10240x128xf32, #tpu.memory_space<vmem_shared>> -> memref<128x128xf32, #tpu.memory_space<vmem_shared>>
      tpu.enqueue_dma source(%dma_start3A_100 : memref<128x128xf32, #tpu.memory_space<vmem_shared>>) target(%dma_start3A_98 : memref<128x128xf32, #tpu.memory_space<vmem>>) target_semaphore(%run_scoped3A : memref<!tpu.dma_semaphore, #tpu.memory_space<semaphore_mem>>)
      %dma_wait3A = arith.constant 0 : i32
      %dma_wait3A_101 = arith.constant 0 : i32
      %dma_wait3A_102 = tpu.memref_slice %arg9[%dma_wait3A, %dma_wait3A_101] : memref<128x128xf32, #tpu.memory_space<vmem>> -> memref<128x128xf32, #tpu.memory_space<vmem>>
      %dma_wait3A_103 = arith.constant 0 : i32
      %dma_wait3A_104 = tpu.memref_slice %arg6[%add3A_60, %dma_wait3A_103] : memref<10240x128xf32, #tpu.memory_space<vmem_shared>> -> memref<128x128xf32, #tpu.memory_space<vmem_shared>>
      %dma_wait3A_105 = arith.constant 0 : i32
      %dma_wait3A_106 = arith.constant 0 : i32
      %dma_wait3A_107 = tpu.memref_slice %arg9[%dma_wait3A_105, %dma_wait3A_106] : memref<128x128xf32, #tpu.memory_space<vmem>> -> memref<128x128xf32, #tpu.memory_space<vmem>>
      %dma_wait3A_108 = arith.constant 0 : i32
      %dma_wait3A_109 = tpu.memref_slice %arg6[%add3A_60, %dma_wait3A_108] : memref<10240x128xf32, #tpu.memory_space<vmem_shared>> -> memref<128x128xf32, #tpu.memory_space<vmem_shared>>
      tpu.wait_dma2 semaphore(%run_scoped3A : memref<!tpu.dma_semaphore, #tpu.memory_space<semaphore_mem>>) src(%dma_wait3A_109 : memref<128x128xf32, #tpu.memory_space<vmem_shared>>) dst(%dma_wait3A_107 : memref<128x128xf32, #tpu.memory_space<vmem>>)
      tpu.yield
    }) : () -> ()
    %scan3A_61 = arith.constant 0 : i32
    %scan3A_62 = arith.constant 0 : i32
    %scan3A_63 = arith.constant 128 : i32
    %scan3A_64 = arith.addi %scan3A_62, %scan3A_63 : i32
    %scan3A_65 = arith.constant 1 : i32
    %scan3A_66 = scf.for %scan3A_92 = %scan3A_62 to %scan3A_64 step %scan3A_65 iter_args(%scan3A_93 = %scan3A_61) -> (i32)  : i32 {
      %get3A = arith.index_cast %scan3A_92 : i32 to index
      %get3A_94 = arith.constant 0 : index
      %get3A_95 = tpu.vector_load %arg9[%get3A, %get3A_94] {strides = array<i32>} : memref<128x128xf32, #tpu.memory_space<vmem>>, vector<16xf32>,
      %get3A_96 = arith.constant 0 : index
      %get3A_97 = tpu.vector_load %arg10[%get3A_96] {strides = array<i32>} : memref<128xf32, #tpu.memory_space<vmem>>, vector<16xf32>,
      %ge3A = arith.constant 0.000000e+00 : f32
      %ge3A_98 = vector.broadcast %ge3A : f32 to vector<16xf32>
      %ge3A_99 = arith.cmpf oge, %get3A_95, %ge3A_98 : vector<16xf32>
      %mul3A_100 = arith.mulf %get3A_97, %get3A_95 : vector<16xf32>
      %select_n3A_101 = arith.select %ge3A_99, %get3A_95, %mul3A_100 : vector<16xi1>, vector<16xf32>
      %swap3A = arith.index_cast %scan3A_92 : i32 to index
      %swap3A_102 = arith.constant 0 : index
      %swap3A_103 = tpu.vector_load %arg9[%swap3A, %swap3A_102] {strides = array<i32>} : memref<128x128xf32, #tpu.memory_space<vmem>>, vector<16xf32>,
      tpu.vector_store %arg9[%swap3A, %swap3A_102], %select_n3A_101 {strides = array<i32>} : memref<128x128xf32, #tpu.memory_space<vmem>>, vector<16xf32>,
      %get3A_104 = arith.index_cast %scan3A_92 : i32 to index
      %get3A_105 = arith.constant 16 : index
      %get3A_106 = tpu.vector_load %arg9[%get3A_104, %get3A_105] {strides = array<i32>} : memref<128x128xf32, #tpu.memory_space<vmem>>, vector<16xf32>,
      %get3A_107 = arith.constant 16 : index
      %get3A_108 = tpu.vector_load %arg10[%get3A_107] {strides = array<i32>} : memref<128xf32, #tpu.memory_space<vmem>>, vector<16xf32>,
      %ge3A_109 = arith.constant 0.000000e+00 : f32
      %ge3A_110 = vector.broadcast %ge3A_109 : f32 to vector<16xf32>
      %ge3A_111 = arith.cmpf oge, %get3A_106, %ge3A_110 : vector<16xf32>
      %mul3A_112 = arith.mulf %get3A_108, %get3A_106 : vector<16xf32>
      %select_n3A_113 = arith.select %ge3A_111, %get3A_106, %mul3A_112 : vector<16xi1>, vector<16xf32>
      %swap3A_114 = arith.index_cast %scan3A_92 : i32 to index
      %swap3A_115 = arith.constant 16 : index
      %swap3A_116 = tpu.vector_load %arg9[%swap3A_114, %swap3A_115] {strides = array<i32>} : memref<128x128xf32, #tpu.memory_space<vmem>>, vector<16xf32>,
      tpu.vector_store %arg9[%swap3A_114, %swap3A_115], %select_n3A_113 {strides = array<i32>} : memref<128x128xf32, #tpu.memory_space<vmem>>, vector<16xf32>,
      %get3A_117 = arith.index_cast %scan3A_92 : i32 to index
      %get3A_118 = arith.constant 32 : index
      %get3A_119 = tpu.vector_load %arg9[%get3A_117, %get3A_118] {strides = array<i32>} : memref<128x128xf32, #tpu.memory_space<vmem>>, vector<16xf32>,
      %get3A_120 = arith.constant 32 : index
      %get3A_121 = tpu.vector_load %arg10[%get3A_120] {strides = array<i32>} : memref<128xf32, #tpu.memory_space<vmem>>, vector<16xf32>,
      %ge3A_122 = arith.constant 0.000000e+00 : f32
      %ge3A_123 = vector.broadcast %ge3A_122 : f32 to vector<16xf32>
      %ge3A_124 = arith.cmpf oge, %get3A_119, %ge3A_123 : vector<16xf32>
      %mul3A_125 = arith.mulf %get3A_121, %get3A_119 : vector<16xf32>
      %select_n3A_126 = arith.select %ge3A_124, %get3A_119, %mul3A_125 : vector<16xi1>, vector<16xf32>
      %swap3A_127 = arith.index_cast %scan3A_92 : i32 to index
      %swap3A_128 = arith.constant 32 : index
      %swap3A_129 = tpu.vector_load %arg9[%swap3A_127, %swap3A_128] {strides = array<i32>} : memref<128x128xf32, #tpu.memory_space<vmem>>, vector<16xf32>,
      tpu.vector_store %arg9[%swap3A_127, %swap3A_128], %select_n3A_126 {strides = array<i32>} : memref<128x128xf32, #tpu.memory_space<vmem>>, vector<16xf32>,
      %get3A_130 = arith.index_cast %scan3A_92 : i32 to index
      %get3A_131 = arith.constant 48 : index
      %get3A_132 = tpu.vector_load %arg9[%get3A_130, %get3A_131] {strides = array<i32>} : memref<128x128xf32, #tpu.memory_space<vmem>>, vector<16xf32>,
      %get3A_133 = arith.constant 48 : index
      %get3A_134 = tpu.vector_load %arg10[%get3A_133] {strides = array<i32>} : memref<128xf32, #tpu.memory_space<vmem>>, vector<16xf32>,
      %ge3A_135 = arith.constant 0.000000e+00 : f32
      %ge3A_136 = vector.broadcast %ge3A_135 : f32 to vector<16xf32>
      %ge3A_137 = arith.cmpf oge, %get3A_132, %ge3A_136 : vector<16xf32>
      %mul3A_138 = arith.mulf %get3A_134, %get3A_132 : vector<16xf32>
      %select_n3A_139 = arith.select %ge3A_137, %get3A_132, %mul3A_138 : vector<16xi1>, vector<16xf32>
      %swap3A_140 = arith.index_cast %scan3A_92 : i32 to index
      %swap3A_141 = arith.constant 48 : index
      %swap3A_142 = tpu.vector_load %arg9[%swap3A_140, %swap3A_141] {strides = array<i32>} : memref<128x128xf32, #tpu.memory_space<vmem>>, vector<16xf32>,
      tpu.vector_store %arg9[%swap3A_140, %swap3A_141], %select_n3A_139 {strides = array<i32>} : memref<128x128xf32, #tpu.memory_space<vmem>>, vector<16xf32>,
      %get3A_143 = arith.index_cast %scan3A_92 : i32 to index
      %get3A_144 = arith.constant 64 : index
      %get3A_145 = tpu.vector_load %arg9[%get3A_143, %get3A_144] {strides = array<i32>} : memref<128x128xf32, #tpu.memory_space<vmem>>, vector<16xf32>,
      %get3A_146 = arith.constant 64 : index
      %get3A_147 = tpu.vector_load %arg10[%get3A_146] {strides = array<i32>} : memref<128xf32, #tpu.memory_space<vmem>>, vector<16xf32>,
      %ge3A_148 = arith.constant 0.000000e+00 : f32
      %ge3A_149 = vector.broadcast %ge3A_148 : f32 to vector<16xf32>
      %ge3A_150 = arith.cmpf oge, %get3A_145, %ge3A_149 : vector<16xf32>
      %mul3A_151 = arith.mulf %get3A_147, %get3A_145 : vector<16xf32>
      %select_n3A_152 = arith.select %ge3A_150, %get3A_145, %mul3A_151 : vector<16xi1>, vector<16xf32>
      %swap3A_153 = arith.index_cast %scan3A_92 : i32 to index
      %swap3A_154 = arith.constant 64 : index
      %swap3A_155 = tpu.vector_load %arg9[%swap3A_153, %swap3A_154] {strides = array<i32>} : memref<128x128xf32, #tpu.memory_space<vmem>>, vector<16xf32>,
      tpu.vector_store %arg9[%swap3A_153, %swap3A_154], %select_n3A_152 {strides = array<i32>} : memref<128x128xf32, #tpu.memory_space<vmem>>, vector<16xf32>,
      %get3A_156 = arith.index_cast %scan3A_92 : i32 to index
      %get3A_157 = arith.constant 80 : index
      %get3A_158 = tpu.vector_load %arg9[%get3A_156, %get3A_157] {strides = array<i32>} : memref<128x128xf32, #tpu.memory_space<vmem>>, vector<16xf32>,
      %get3A_159 = arith.constant 80 : index
      %get3A_160 = tpu.vector_load %arg10[%get3A_159] {strides = array<i32>} : memref<128xf32, #tpu.memory_space<vmem>>, vector<16xf32>,
      %ge3A_161 = arith.constant 0.000000e+00 : f32
      %ge3A_162 = vector.broadcast %ge3A_161 : f32 to vector<16xf32>
      %ge3A_163 = arith.cmpf oge, %get3A_158, %ge3A_162 : vector<16xf32>
      %mul3A_164 = arith.mulf %get3A_160, %get3A_158 : vector<16xf32>
      %select_n3A_165 = arith.select %ge3A_163, %get3A_158, %mul3A_164 : vector<16xi1>, vector<16xf32>
      %swap3A_166 = arith.index_cast %scan3A_92 : i32 to index
      %swap3A_167 = arith.constant 80 : index
      %swap3A_168 = tpu.vector_load %arg9[%swap3A_166, %swap3A_167] {strides = array<i32>} : memref<128x128xf32, #tpu.memory_space<vmem>>, vector<16xf32>,
      tpu.vector_store %arg9[%swap3A_166, %swap3A_167], %select_n3A_165 {strides = array<i32>} : memref<128x128xf32, #tpu.memory_space<vmem>>, vector<16xf32>,
      %get3A_169 = arith.index_cast %scan3A_92 : i32 to index
      %get3A_170 = arith.constant 96 : index
      %get3A_171 = tpu.vector_load %arg9[%get3A_169, %get3A_170] {strides = array<i32>} : memref<128x128xf32, #tpu.memory_space<vmem>>, vector<16xf32>,
      %get3A_172 = arith.constant 96 : index
      %get3A_173 = tpu.vector_load %arg10[%get3A_172] {strides = array<i32>} : memref<128xf32, #tpu.memory_space<vmem>>, vector<16xf32>,
      %ge3A_174 = arith.constant 0.000000e+00 : f32
      %ge3A_175 = vector.broadcast %ge3A_174 : f32 to vector<16xf32>
      %ge3A_176 = arith.cmpf oge, %get3A_171, %ge3A_175 : vector<16xf32>
      %mul3A_177 = arith.mulf %get3A_173, %get3A_171 : vector<16xf32>
      %select_n3A_178 = arith.select %ge3A_176, %get3A_171, %mul3A_177 : vector<16xi1>, vector<16xf32>
      %swap3A_179 = arith.index_cast %scan3A_92 : i32 to index
      %swap3A_180 = arith.constant 96 : index
      %swap3A_181 = tpu.vector_load %arg9[%swap3A_179, %swap3A_180] {strides = array<i32>} : memref<128x128xf32, #tpu.memory_space<vmem>>, vector<16xf32>,
      tpu.vector_store %arg9[%swap3A_179, %swap3A_180], %select_n3A_178 {strides = array<i32>} : memref<128x128xf32, #tpu.memory_space<vmem>>, vector<16xf32>,
      %get3A_182 = arith.index_cast %scan3A_92 : i32 to index
      %get3A_183 = arith.constant 112 : index
      %get3A_184 = tpu.vector_load %arg9[%get3A_182, %get3A_183] {strides = array<i32>} : memref<128x128xf32, #tpu.memory_space<vmem>>, vector<16xf32>,
      %get3A_185 = arith.constant 112 : index
      %get3A_186 = tpu.vector_load %arg10[%get3A_185] {strides = array<i32>} : memref<128xf32, #tpu.memory_space<vmem>>, vector<16xf32>,
      %ge3A_187 = arith.constant 0.000000e+00 : f32
      %ge3A_188 = vector.broadcast %ge3A_187 : f32 to vector<16xf32>
      %ge3A_189 = arith.cmpf oge, %get3A_184, %ge3A_188 : vector<16xf32>
      %mul3A_190 = arith.mulf %get3A_186, %get3A_184 : vector<16xf32>
      %select_n3A_191 = arith.select %ge3A_189, %get3A_184, %mul3A_190 : vector<16xi1>, vector<16xf32>
      %swap3A_192 = arith.index_cast %scan3A_92 : i32 to index
      %swap3A_193 = arith.constant 112 : index
      %swap3A_194 = tpu.vector_load %arg9[%swap3A_192, %swap3A_193] {strides = array<i32>} : memref<128x128xf32, #tpu.memory_space<vmem>>, vector<16xf32>,
      tpu.vector_store %arg9[%swap3A_192, %swap3A_193], %select_n3A_191 {strides = array<i32>} : memref<128x128xf32, #tpu.memory_space<vmem>>, vector<16xf32>,
      %scan3A_195 = arith.constant 0 : i32
      scf.yield %scan3A_195 : i32
    }
    %scan3A_67 = arith.constant 128 : i32
    %mul3A_68 = arith.constant 128 : i32
    %mul3A_69 = arith.muli %arg0, %mul3A_68 : i32
    "tpu.region"() ({
      %run_scoped3A = tpu.sem_alloc : memref<!tpu.dma_semaphore, #tpu.memory_space<semaphore_mem>>
      %dma_start3A = arith.constant 0 : i32
      %dma_start3A_92 = arith.constant 0 : i32
      %dma_start3A_93 = tpu.memref_slice %arg9[%dma_start3A, %dma_start3A_92] : memref<128x128xf32, #tpu.memory_space<vmem>> -> memref<128x128xf32, #tpu.memory_space<vmem>>
      %dma_start3A_94 = tpu.memref_slice %arg5[%add3A_60, %mul3A_69] : memref<10240x256xf32, #tpu.memory_space<hbm>> -> memref<128x128xf32, #tpu.memory_space<hbm>>
      %dma_start3A_95 = tpu.memref_slice %arg5[%add3A_60, %mul3A_69] : memref<10240x256xf32, #tpu.memory_space<hbm>> -> memref<128x128xf32, #tpu.memory_space<hbm>>
      %dma_start3A_96 = arith.constant 0 : i32
      %dma_start3A_97 = arith.constant 0 : i32
      %dma_start3A_98 = tpu.memref_slice %arg9[%dma_start3A_96, %dma_start3A_97] : memref<128x128xf32, #tpu.memory_space<vmem>> -> memref<128x128xf32, #tpu.memory_space<vmem>>
      tpu.enqueue_dma source(%dma_start3A_98 : memref<128x128xf32, #tpu.memory_space<vmem>>) target(%dma_start3A_95 : memref<128x128xf32, #tpu.memory_space<hbm>>) target_semaphore(%run_scoped3A : memref<!tpu.dma_semaphore, #tpu.memory_space<semaphore_mem>>)
      %dma_wait3A = arith.constant 0 : i32
      %dma_wait3A_99 = arith.constant 0 : i32
      %dma_wait3A_100 = tpu.memref_slice %arg9[%dma_wait3A, %dma_wait3A_99] : memref<128x128xf32, #tpu.memory_space<vmem>> -> memref<128x128xf32, #tpu.memory_space<vmem>>
      %dma_wait3A_101 = tpu.memref_slice %arg5[%add3A_60, %mul3A_69] : memref<10240x256xf32, #tpu.memory_space<hbm>> -> memref<128x128xf32, #tpu.memory_space<hbm>>
      %dma_wait3A_102 = tpu.memref_slice %arg5[%add3A_60, %mul3A_69] : memref<10240x256xf32, #tpu.memory_space<hbm>> -> memref<128x128xf32, #tpu.memory_space<hbm>>
      %dma_wait3A_103 = arith.constant 0 : i32
      %dma_wait3A_104 = arith.constant 0 : i32
      %dma_wait3A_105 = tpu.memref_slice %arg9[%dma_wait3A_103, %dma_wait3A_104] : memref<128x128xf32, #tpu.memory_space<vmem>> -> memref<128x128xf32, #tpu.memory_space<vmem>>
      tpu.wait_dma2 semaphore(%run_scoped3A : memref<!tpu.dma_semaphore, #tpu.memory_space<semaphore_mem>>) src(%dma_wait3A_105 : memref<128x128xf32, #tpu.memory_space<vmem>>) dst(%dma_wait3A_102 : memref<128x128xf32, #tpu.memory_space<hbm>>)
      tpu.yield
    }) : () -> ()
    %add3A_70 = arith.constant 384 : i32
    %add3A_71 = arith.addi %mul3A_7, %add3A_70 : i32
    "tpu.region"() ({
      %run_scoped3A = tpu.sem_alloc : memref<!tpu.dma_semaphore, #tpu.memory_space<semaphore_mem>>
      %dma_start3A = arith.constant 0 : i32
      %dma_start3A_92 = arith.constant 0 : i32
      %dma_start3A_93 = tpu.memref_slice %arg9[%dma_start3A, %dma_start3A_92] : memref<128x128xf32, #tpu.memory_space<vmem>> -> memref<128x128xf32, #tpu.memory_space<vmem>>
      %dma_start3A_94 = arith.constant 0 : i32
      %dma_start3A_95 = tpu.memref_slice %arg6[%add3A_71, %dma_start3A_94] : memref<10240x128xf32, #tpu.memory_space<vmem_shared>> -> memref<128x128xf32, #tpu.memory_space<vmem_shared>>
      %dma_start3A_96 = arith.constant 0 : i32
      %dma_start3A_97 = arith.constant 0 : i32
      %dma_start3A_98 = tpu.memref_slice %arg9[%dma_start3A_96, %dma_start3A_97] : memref<128x128xf32, #tpu.memory_space<vmem>> -> memref<128x128xf32, #tpu.memory_space<vmem>>
      %dma_start3A_99 = arith.constant 0 : i32
      %dma_start3A_100 = tpu.memref_slice %arg6[%add3A_71, %dma_start3A_99] : memref<10240x128xf32, #tpu.memory_space<vmem_shared>> -> memref<128x128xf32, #tpu.memory_space<vmem_shared>>
      tpu.enqueue_dma source(%dma_start3A_100 : memref<128x128xf32, #tpu.memory_space<vmem_shared>>) target(%dma_start3A_98 : memref<128x128xf32, #tpu.memory_space<vmem>>) target_semaphore(%run_scoped3A : memref<!tpu.dma_semaphore, #tpu.memory_space<semaphore_mem>>)
      %dma_wait3A = arith.constant 0 : i32
      %dma_wait3A_101 = arith.constant 0 : i32
      %dma_wait3A_102 = tpu.memref_slice %arg9[%dma_wait3A, %dma_wait3A_101] : memref<128x128xf32, #tpu.memory_space<vmem>> -> memref<128x128xf32, #tpu.memory_space<vmem>>
      %dma_wait3A_103 = arith.constant 0 : i32
      %dma_wait3A_104 = tpu.memref_slice %arg6[%add3A_71, %dma_wait3A_103] : memref<10240x128xf32, #tpu.memory_space<vmem_shared>> -> memref<128x128xf32, #tpu.memory_space<vmem_shared>>
      %dma_wait3A_105 = arith.constant 0 : i32
      %dma_wait3A_106 = arith.constant 0 : i32
      %dma_wait3A_107 = tpu.memref_slice %arg9[%dma_wait3A_105, %dma_wait3A_106] : memref<128x128xf32, #tpu.memory_space<vmem>> -> memref<128x128xf32, #tpu.memory_space<vmem>>
      %dma_wait3A_108 = arith.constant 0 : i32
      %dma_wait3A_109 = tpu.memref_slice %arg6[%add3A_71, %dma_wait3A_108] : memref<10240x128xf32, #tpu.memory_space<vmem_shared>> -> memref<128x128xf32, #tpu.memory_space<vmem_shared>>
      tpu.wait_dma2 semaphore(%run_scoped3A : memref<!tpu.dma_semaphore, #tpu.memory_space<semaphore_mem>>) src(%dma_wait3A_109 : memref<128x128xf32, #tpu.memory_space<vmem_shared>>) dst(%dma_wait3A_107 : memref<128x128xf32, #tpu.memory_space<vmem>>)
      tpu.yield
    }) : () -> ()
    %scan3A_72 = arith.constant 0 : i32
    %scan3A_73 = arith.constant 0 : i32
    %scan3A_74 = arith.constant 128 : i32
    %scan3A_75 = arith.addi %scan3A_73, %scan3A_74 : i32
    %scan3A_76 = arith.constant 1 : i32
    %scan3A_77 = scf.for %scan3A_92 = %scan3A_73 to %scan3A_75 step %scan3A_76 iter_args(%scan3A_93 = %scan3A_72) -> (i32)  : i32 {
      %get3A = arith.index_cast %scan3A_92 : i32 to index
      %get3A_94 = arith.constant 0 : index
      %get3A_95 = tpu.vector_load %arg9[%get3A, %get3A_94] {strides = array<i32>} : memref<128x128xf32, #tpu.memory_space<vmem>>, vector<16xf32>,
      %get3A_96 = arith.constant 0 : index
      %get3A_97 = tpu.vector_load %arg10[%get3A_96] {strides = array<i32>} : memref<128xf32, #tpu.memory_space<vmem>>, vector<16xf32>,
      %ge3A = arith.constant 0.000000e+00 : f32
      %ge3A_98 = vector.broadcast %ge3A : f32 to vector<16xf32>
      %ge3A_99 = arith.cmpf oge, %get3A_95, %ge3A_98 : vector<16xf32>
      %mul3A_100 = arith.mulf %get3A_97, %get3A_95 : vector<16xf32>
      %select_n3A_101 = arith.select %ge3A_99, %get3A_95, %mul3A_100 : vector<16xi1>, vector<16xf32>
      %swap3A = arith.index_cast %scan3A_92 : i32 to index
      %swap3A_102 = arith.constant 0 : index
      %swap3A_103 = tpu.vector_load %arg9[%swap3A, %swap3A_102] {strides = array<i32>} : memref<128x128xf32, #tpu.memory_space<vmem>>, vector<16xf32>,
      tpu.vector_store %arg9[%swap3A, %swap3A_102], %select_n3A_101 {strides = array<i32>} : memref<128x128xf32, #tpu.memory_space<vmem>>, vector<16xf32>,
      %get3A_104 = arith.index_cast %scan3A_92 : i32 to index
      %get3A_105 = arith.constant 16 : index
      %get3A_106 = tpu.vector_load %arg9[%get3A_104, %get3A_105] {strides = array<i32>} : memref<128x128xf32, #tpu.memory_space<vmem>>, vector<16xf32>,
      %get3A_107 = arith.constant 16 : index
      %get3A_108 = tpu.vector_load %arg10[%get3A_107] {strides = array<i32>} : memref<128xf32, #tpu.memory_space<vmem>>, vector<16xf32>,
      %ge3A_109 = arith.constant 0.000000e+00 : f32
      %ge3A_110 = vector.broadcast %ge3A_109 : f32 to vector<16xf32>
      %ge3A_111 = arith.cmpf oge, %get3A_106, %ge3A_110 : vector<16xf32>
      %mul3A_112 = arith.mulf %get3A_108, %get3A_106 : vector<16xf32>
      %select_n3A_113 = arith.select %ge3A_111, %get3A_106, %mul3A_112 : vector<16xi1>, vector<16xf32>
      %swap3A_114 = arith.index_cast %scan3A_92 : i32 to index
      %swap3A_115 = arith.constant 16 : index
      %swap3A_116 = tpu.vector_load %arg9[%swap3A_114, %swap3A_115] {strides = array<i32>} : memref<128x128xf32, #tpu.memory_space<vmem>>, vector<16xf32>,
      tpu.vector_store %arg9[%swap3A_114, %swap3A_115], %select_n3A_113 {strides = array<i32>} : memref<128x128xf32, #tpu.memory_space<vmem>>, vector<16xf32>,
      %get3A_117 = arith.index_cast %scan3A_92 : i32 to index
      %get3A_118 = arith.constant 32 : index
      %get3A_119 = tpu.vector_load %arg9[%get3A_117, %get3A_118] {strides = array<i32>} : memref<128x128xf32, #tpu.memory_space<vmem>>, vector<16xf32>,
      %get3A_120 = arith.constant 32 : index
      %get3A_121 = tpu.vector_load %arg10[%get3A_120] {strides = array<i32>} : memref<128xf32, #tpu.memory_space<vmem>>, vector<16xf32>,
      %ge3A_122 = arith.constant 0.000000e+00 : f32
      %ge3A_123 = vector.broadcast %ge3A_122 : f32 to vector<16xf32>
      %ge3A_124 = arith.cmpf oge, %get3A_119, %ge3A_123 : vector<16xf32>
      %mul3A_125 = arith.mulf %get3A_121, %get3A_119 : vector<16xf32>
      %select_n3A_126 = arith.select %ge3A_124, %get3A_119, %mul3A_125 : vector<16xi1>, vector<16xf32>
      %swap3A_127 = arith.index_cast %scan3A_92 : i32 to index
      %swap3A_128 = arith.constant 32 : index
      %swap3A_129 = tpu.vector_load %arg9[%swap3A_127, %swap3A_128] {strides = array<i32>} : memref<128x128xf32, #tpu.memory_space<vmem>>, vector<16xf32>,
      tpu.vector_store %arg9[%swap3A_127, %swap3A_128], %select_n3A_126 {strides = array<i32>} : memref<128x128xf32, #tpu.memory_space<vmem>>, vector<16xf32>,
      %get3A_130 = arith.index_cast %scan3A_92 : i32 to index
      %get3A_131 = arith.constant 48 : index
      %get3A_132 = tpu.vector_load %arg9[%get3A_130, %get3A_131] {strides = array<i32>} : memref<128x128xf32, #tpu.memory_space<vmem>>, vector<16xf32>,
      %get3A_133 = arith.constant 48 : index
      %get3A_134 = tpu.vector_load %arg10[%get3A_133] {strides = array<i32>} : memref<128xf32, #tpu.memory_space<vmem>>, vector<16xf32>,
      %ge3A_135 = arith.constant 0.000000e+00 : f32
      %ge3A_136 = vector.broadcast %ge3A_135 : f32 to vector<16xf32>
      %ge3A_137 = arith.cmpf oge, %get3A_132, %ge3A_136 : vector<16xf32>
      %mul3A_138 = arith.mulf %get3A_134, %get3A_132 : vector<16xf32>
      %select_n3A_139 = arith.select %ge3A_137, %get3A_132, %mul3A_138 : vector<16xi1>, vector<16xf32>
      %swap3A_140 = arith.index_cast %scan3A_92 : i32 to index
      %swap3A_141 = arith.constant 48 : index
      %swap3A_142 = tpu.vector_load %arg9[%swap3A_140, %swap3A_141] {strides = array<i32>} : memref<128x128xf32, #tpu.memory_space<vmem>>, vector<16xf32>,
      tpu.vector_store %arg9[%swap3A_140, %swap3A_141], %select_n3A_139 {strides = array<i32>} : memref<128x128xf32, #tpu.memory_space<vmem>>, vector<16xf32>,
      %get3A_143 = arith.index_cast %scan3A_92 : i32 to index
      %get3A_144 = arith.constant 64 : index
      %get3A_145 = tpu.vector_load %arg9[%get3A_143, %get3A_144] {strides = array<i32>} : memref<128x128xf32, #tpu.memory_space<vmem>>, vector<16xf32>,
      %get3A_146 = arith.constant 64 : index
      %get3A_147 = tpu.vector_load %arg10[%get3A_146] {strides = array<i32>} : memref<128xf32, #tpu.memory_space<vmem>>, vector<16xf32>,
      %ge3A_148 = arith.constant 0.000000e+00 : f32
      %ge3A_149 = vector.broadcast %ge3A_148 : f32 to vector<16xf32>
      %ge3A_150 = arith.cmpf oge, %get3A_145, %ge3A_149 : vector<16xf32>
      %mul3A_151 = arith.mulf %get3A_147, %get3A_145 : vector<16xf32>
      %select_n3A_152 = arith.select %ge3A_150, %get3A_145, %mul3A_151 : vector<16xi1>, vector<16xf32>
      %swap3A_153 = arith.index_cast %scan3A_92 : i32 to index
      %swap3A_154 = arith.constant 64 : index
      %swap3A_155 = tpu.vector_load %arg9[%swap3A_153, %swap3A_154] {strides = array<i32>} : memref<128x128xf32, #tpu.memory_space<vmem>>, vector<16xf32>,
      tpu.vector_store %arg9[%swap3A_153, %swap3A_154], %select_n3A_152 {strides = array<i32>} : memref<128x128xf32, #tpu.memory_space<vmem>>, vector<16xf32>,
      %get3A_156 = arith.index_cast %scan3A_92 : i32 to index
      %get3A_157 = arith.constant 80 : index
      %get3A_158 = tpu.vector_load %arg9[%get3A_156, %get3A_157] {strides = array<i32>} : memref<128x128xf32, #tpu.memory_space<vmem>>, vector<16xf32>,
      %get3A_159 = arith.constant 80 : index
      %get3A_160 = tpu.vector_load %arg10[%get3A_159] {strides = array<i32>} : memref<128xf32, #tpu.memory_space<vmem>>, vector<16xf32>,
      %ge3A_161 = arith.constant 0.000000e+00 : f32
      %ge3A_162 = vector.broadcast %ge3A_161 : f32 to vector<16xf32>
      %ge3A_163 = arith.cmpf oge, %get3A_158, %ge3A_162 : vector<16xf32>
      %mul3A_164 = arith.mulf %get3A_160, %get3A_158 : vector<16xf32>
      %select_n3A_165 = arith.select %ge3A_163, %get3A_158, %mul3A_164 : vector<16xi1>, vector<16xf32>
      %swap3A_166 = arith.index_cast %scan3A_92 : i32 to index
      %swap3A_167 = arith.constant 80 : index
      %swap3A_168 = tpu.vector_load %arg9[%swap3A_166, %swap3A_167] {strides = array<i32>} : memref<128x128xf32, #tpu.memory_space<vmem>>, vector<16xf32>,
      tpu.vector_store %arg9[%swap3A_166, %swap3A_167], %select_n3A_165 {strides = array<i32>} : memref<128x128xf32, #tpu.memory_space<vmem>>, vector<16xf32>,
      %get3A_169 = arith.index_cast %scan3A_92 : i32 to index
      %get3A_170 = arith.constant 96 : index
      %get3A_171 = tpu.vector_load %arg9[%get3A_169, %get3A_170] {strides = array<i32>} : memref<128x128xf32, #tpu.memory_space<vmem>>, vector<16xf32>,
      %get3A_172 = arith.constant 96 : index
      %get3A_173 = tpu.vector_load %arg10[%get3A_172] {strides = array<i32>} : memref<128xf32, #tpu.memory_space<vmem>>, vector<16xf32>,
      %ge3A_174 = arith.constant 0.000000e+00 : f32
      %ge3A_175 = vector.broadcast %ge3A_174 : f32 to vector<16xf32>
      %ge3A_176 = arith.cmpf oge, %get3A_171, %ge3A_175 : vector<16xf32>
      %mul3A_177 = arith.mulf %get3A_173, %get3A_171 : vector<16xf32>
      %select_n3A_178 = arith.select %ge3A_176, %get3A_171, %mul3A_177 : vector<16xi1>, vector<16xf32>
      %swap3A_179 = arith.index_cast %scan3A_92 : i32 to index
      %swap3A_180 = arith.constant 96 : index
      %swap3A_181 = tpu.vector_load %arg9[%swap3A_179, %swap3A_180] {strides = array<i32>} : memref<128x128xf32, #tpu.memory_space<vmem>>, vector<16xf32>,
      tpu.vector_store %arg9[%swap3A_179, %swap3A_180], %select_n3A_178 {strides = array<i32>} : memref<128x128xf32, #tpu.memory_space<vmem>>, vector<16xf32>,
      %get3A_182 = arith.index_cast %scan3A_92 : i32 to index
      %get3A_183 = arith.constant 112 : index
      %get3A_184 = tpu.vector_load %arg9[%get3A_182, %get3A_183] {strides = array<i32>} : memref<128x128xf32, #tpu.memory_space<vmem>>, vector<16xf32>,
      %get3A_185 = arith.constant 112 : index
      %get3A_186 = tpu.vector_load %arg10[%get3A_185] {strides = array<i32>} : memref<128xf32, #tpu.memory_space<vmem>>, vector<16xf32>,
      %ge3A_187 = arith.constant 0.000000e+00 : f32
      %ge3A_188 = vector.broadcast %ge3A_187 : f32 to vector<16xf32>
      %ge3A_189 = arith.cmpf oge, %get3A_184, %ge3A_188 : vector<16xf32>
      %mul3A_190 = arith.mulf %get3A_186, %get3A_184 : vector<16xf32>
      %select_n3A_191 = arith.select %ge3A_189, %get3A_184, %mul3A_190 : vector<16xi1>, vector<16xf32>
      %swap3A_192 = arith.index_cast %scan3A_92 : i32 to index
      %swap3A_193 = arith.constant 112 : index
      %swap3A_194 = tpu.vector_load %arg9[%swap3A_192, %swap3A_193] {strides = array<i32>} : memref<128x128xf32, #tpu.memory_space<vmem>>, vector<16xf32>,
      tpu.vector_store %arg9[%swap3A_192, %swap3A_193], %select_n3A_191 {strides = array<i32>} : memref<128x128xf32, #tpu.memory_space<vmem>>, vector<16xf32>,
      %scan3A_195 = arith.constant 0 : i32
      scf.yield %scan3A_195 : i32
    }
    %scan3A_78 = arith.constant 128 : i32
    %mul3A_79 = arith.constant 128 : i32
    %mul3A_80 = arith.muli %arg0, %mul3A_79 : i32
    "tpu.region"() ({
      %run_scoped3A = tpu.sem_alloc : memref<!tpu.dma_semaphore, #tpu.memory_space<semaphore_mem>>
      %dma_start3A = arith.constant 0 : i32
      %dma_start3A_92 = arith.constant 0 : i32
      %dma_start3A_93 = tpu.memref_slice %arg9[%dma_start3A, %dma_start3A_92] : memref<128x128xf32, #tpu.memory_space<vmem>> -> memref<128x128xf32, #tpu.memory_space<vmem>>
      %dma_start3A_94 = tpu.memref_slice %arg5[%add3A_71, %mul3A_80] : memref<10240x256xf32, #tpu.memory_space<hbm>> -> memref<128x128xf32, #tpu.memory_space<hbm>>
      %dma_start3A_95 = tpu.memref_slice %arg5[%add3A_71, %mul3A_80] : memref<10240x256xf32, #tpu.memory_space<hbm>> -> memref<128x128xf32, #tpu.memory_space<hbm>>
      %dma_start3A_96 = arith.constant 0 : i32
      %dma_start3A_97 = arith.constant 0 : i32
      %dma_start3A_98 = tpu.memref_slice %arg9[%dma_start3A_96, %dma_start3A_97] : memref<128x128xf32, #tpu.memory_space<vmem>> -> memref<128x128xf32, #tpu.memory_space<vmem>>
      tpu.enqueue_dma source(%dma_start3A_98 : memref<128x128xf32, #tpu.memory_space<vmem>>) target(%dma_start3A_95 : memref<128x128xf32, #tpu.memory_space<hbm>>) target_semaphore(%run_scoped3A : memref<!tpu.dma_semaphore, #tpu.memory_space<semaphore_mem>>)
      %dma_wait3A = arith.constant 0 : i32
      %dma_wait3A_99 = arith.constant 0 : i32
      %dma_wait3A_100 = tpu.memref_slice %arg9[%dma_wait3A, %dma_wait3A_99] : memref<128x128xf32, #tpu.memory_space<vmem>> -> memref<128x128xf32, #tpu.memory_space<vmem>>
      %dma_wait3A_101 = tpu.memref_slice %arg5[%add3A_71, %mul3A_80] : memref<10240x256xf32, #tpu.memory_space<hbm>> -> memref<128x128xf32, #tpu.memory_space<hbm>>
      %dma_wait3A_102 = tpu.memref_slice %arg5[%add3A_71, %mul3A_80] : memref<10240x256xf32, #tpu.memory_space<hbm>> -> memref<128x128xf32, #tpu.memory_space<hbm>>
      %dma_wait3A_103 = arith.constant 0 : i32
      %dma_wait3A_104 = arith.constant 0 : i32
      %dma_wait3A_105 = tpu.memref_slice %arg9[%dma_wait3A_103, %dma_wait3A_104] : memref<128x128xf32, #tpu.memory_space<vmem>> -> memref<128x128xf32, #tpu.memory_space<vmem>>
      tpu.wait_dma2 semaphore(%run_scoped3A : memref<!tpu.dma_semaphore, #tpu.memory_space<semaphore_mem>>) src(%dma_wait3A_105 : memref<128x128xf32, #tpu.memory_space<vmem>>) dst(%dma_wait3A_102 : memref<128x128xf32, #tpu.memory_space<hbm>>)
      tpu.yield
    }) : () -> ()
    %add3A_81 = arith.constant 512 : i32
    %add3A_82 = arith.addi %mul3A_7, %add3A_81 : i32
    "tpu.region"() ({
      %run_scoped3A = tpu.sem_alloc : memref<!tpu.dma_semaphore, #tpu.memory_space<semaphore_mem>>
      %dma_start3A = arith.constant 0 : i32
      %dma_start3A_92 = arith.constant 0 : i32
      %dma_start3A_93 = tpu.memref_slice %arg9[%dma_start3A, %dma_start3A_92] : memref<128x128xf32, #tpu.memory_space<vmem>> -> memref<128x128xf32, #tpu.memory_space<vmem>>
      %dma_start3A_94 = arith.constant 0 : i32
      %dma_start3A_95 = tpu.memref_slice %arg6[%add3A_82, %dma_start3A_94] : memref<10240x128xf32, #tpu.memory_space<vmem_shared>> -> memref<128x128xf32, #tpu.memory_space<vmem_shared>>
      %dma_start3A_96 = arith.constant 0 : i32
      %dma_start3A_97 = arith.constant 0 : i32
      %dma_start3A_98 = tpu.memref_slice %arg9[%dma_start3A_96, %dma_start3A_97] : memref<128x128xf32, #tpu.memory_space<vmem>> -> memref<128x128xf32, #tpu.memory_space<vmem>>
      %dma_start3A_99 = arith.constant 0 : i32
      %dma_start3A_100 = tpu.memref_slice %arg6[%add3A_82, %dma_start3A_99] : memref<10240x128xf32, #tpu.memory_space<vmem_shared>> -> memref<128x128xf32, #tpu.memory_space<vmem_shared>>
      tpu.enqueue_dma source(%dma_start3A_100 : memref<128x128xf32, #tpu.memory_space<vmem_shared>>) target(%dma_start3A_98 : memref<128x128xf32, #tpu.memory_space<vmem>>) target_semaphore(%run_scoped3A : memref<!tpu.dma_semaphore, #tpu.memory_space<semaphore_mem>>)
      %dma_wait3A = arith.constant 0 : i32
      %dma_wait3A_101 = arith.constant 0 : i32
      %dma_wait3A_102 = tpu.memref_slice %arg9[%dma_wait3A, %dma_wait3A_101] : memref<128x128xf32, #tpu.memory_space<vmem>> -> memref<128x128xf32, #tpu.memory_space<vmem>>
      %dma_wait3A_103 = arith.constant 0 : i32
      %dma_wait3A_104 = tpu.memref_slice %arg6[%add3A_82, %dma_wait3A_103] : memref<10240x128xf32, #tpu.memory_space<vmem_shared>> -> memref<128x128xf32, #tpu.memory_space<vmem_shared>>
      %dma_wait3A_105 = arith.constant 0 : i32
      %dma_wait3A_106 = arith.constant 0 : i32
      %dma_wait3A_107 = tpu.memref_slice %arg9[%dma_wait3A_105, %dma_wait3A_106] : memref<128x128xf32, #tpu.memory_space<vmem>> -> memref<128x128xf32, #tpu.memory_space<vmem>>
      %dma_wait3A_108 = arith.constant 0 : i32
      %dma_wait3A_109 = tpu.memref_slice %arg6[%add3A_82, %dma_wait3A_108] : memref<10240x128xf32, #tpu.memory_space<vmem_shared>> -> memref<128x128xf32, #tpu.memory_space<vmem_shared>>
      tpu.wait_dma2 semaphore(%run_scoped3A : memref<!tpu.dma_semaphore, #tpu.memory_space<semaphore_mem>>) src(%dma_wait3A_109 : memref<128x128xf32, #tpu.memory_space<vmem_shared>>) dst(%dma_wait3A_107 : memref<128x128xf32, #tpu.memory_space<vmem>>)
      tpu.yield
    }) : () -> ()
    %scan3A_83 = arith.constant 0 : i32
    %scan3A_84 = arith.constant 0 : i32
    %scan3A_85 = arith.constant 128 : i32
    %scan3A_86 = arith.addi %scan3A_84, %scan3A_85 : i32
    %scan3A_87 = arith.constant 1 : i32
    %scan3A_88 = scf.for %scan3A_92 = %scan3A_84 to %scan3A_86 step %scan3A_87 iter_args(%scan3A_93 = %scan3A_83) -> (i32)  : i32 {
      %get3A = arith.index_cast %scan3A_92 : i32 to index
      %get3A_94 = arith.constant 0 : index
      %get3A_95 = tpu.vector_load %arg9[%get3A, %get3A_94] {strides = array<i32>} : memref<128x128xf32, #tpu.memory_space<vmem>>, vector<16xf32>,
      %get3A_96 = arith.constant 0 : index
      %get3A_97 = tpu.vector_load %arg10[%get3A_96] {strides = array<i32>} : memref<128xf32, #tpu.memory_space<vmem>>, vector<16xf32>,
      %ge3A = arith.constant 0.000000e+00 : f32
      %ge3A_98 = vector.broadcast %ge3A : f32 to vector<16xf32>
      %ge3A_99 = arith.cmpf oge, %get3A_95, %ge3A_98 : vector<16xf32>
      %mul3A_100 = arith.mulf %get3A_97, %get3A_95 : vector<16xf32>
      %select_n3A_101 = arith.select %ge3A_99, %get3A_95, %mul3A_100 : vector<16xi1>, vector<16xf32>
      %swap3A = arith.index_cast %scan3A_92 : i32 to index
      %swap3A_102 = arith.constant 0 : index
      %swap3A_103 = tpu.vector_load %arg9[%swap3A, %swap3A_102] {strides = array<i32>} : memref<128x128xf32, #tpu.memory_space<vmem>>, vector<16xf32>,
      tpu.vector_store %arg9[%swap3A, %swap3A_102], %select_n3A_101 {strides = array<i32>} : memref<128x128xf32, #tpu.memory_space<vmem>>, vector<16xf32>,
      %get3A_104 = arith.index_cast %scan3A_92 : i32 to index
      %get3A_105 = arith.constant 16 : index
      %get3A_106 = tpu.vector_load %arg9[%get3A_104, %get3A_105] {strides = array<i32>} : memref<128x128xf32, #tpu.memory_space<vmem>>, vector<16xf32>,
      %get3A_107 = arith.constant 16 : index
      %get3A_108 = tpu.vector_load %arg10[%get3A_107] {strides = array<i32>} : memref<128xf32, #tpu.memory_space<vmem>>, vector<16xf32>,
      %ge3A_109 = arith.constant 0.000000e+00 : f32
      %ge3A_110 = vector.broadcast %ge3A_109 : f32 to vector<16xf32>
      %ge3A_111 = arith.cmpf oge, %get3A_106, %ge3A_110 : vector<16xf32>
      %mul3A_112 = arith.mulf %get3A_108, %get3A_106 : vector<16xf32>
      %select_n3A_113 = arith.select %ge3A_111, %get3A_106, %mul3A_112 : vector<16xi1>, vector<16xf32>
      %swap3A_114 = arith.index_cast %scan3A_92 : i32 to index
      %swap3A_115 = arith.constant 16 : index
      %swap3A_116 = tpu.vector_load %arg9[%swap3A_114, %swap3A_115] {strides = array<i32>} : memref<128x128xf32, #tpu.memory_space<vmem>>, vector<16xf32>,
      tpu.vector_store %arg9[%swap3A_114, %swap3A_115], %select_n3A_113 {strides = array<i32>} : memref<128x128xf32, #tpu.memory_space<vmem>>, vector<16xf32>,
      %get3A_117 = arith.index_cast %scan3A_92 : i32 to index
      %get3A_118 = arith.constant 32 : index
      %get3A_119 = tpu.vector_load %arg9[%get3A_117, %get3A_118] {strides = array<i32>} : memref<128x128xf32, #tpu.memory_space<vmem>>, vector<16xf32>,
      %get3A_120 = arith.constant 32 : index
      %get3A_121 = tpu.vector_load %arg10[%get3A_120] {strides = array<i32>} : memref<128xf32, #tpu.memory_space<vmem>>, vector<16xf32>,
      %ge3A_122 = arith.constant 0.000000e+00 : f32
      %ge3A_123 = vector.broadcast %ge3A_122 : f32 to vector<16xf32>
      %ge3A_124 = arith.cmpf oge, %get3A_119, %ge3A_123 : vector<16xf32>
      %mul3A_125 = arith.mulf %get3A_121, %get3A_119 : vector<16xf32>
      %select_n3A_126 = arith.select %ge3A_124, %get3A_119, %mul3A_125 : vector<16xi1>, vector<16xf32>
      %swap3A_127 = arith.index_cast %scan3A_92 : i32 to index
      %swap3A_128 = arith.constant 32 : index
      %swap3A_129 = tpu.vector_load %arg9[%swap3A_127, %swap3A_128] {strides = array<i32>} : memref<128x128xf32, #tpu.memory_space<vmem>>, vector<16xf32>,
      tpu.vector_store %arg9[%swap3A_127, %swap3A_128], %select_n3A_126 {strides = array<i32>} : memref<128x128xf32, #tpu.memory_space<vmem>>, vector<16xf32>,
      %get3A_130 = arith.index_cast %scan3A_92 : i32 to index
      %get3A_131 = arith.constant 48 : index
      %get3A_132 = tpu.vector_load %arg9[%get3A_130, %get3A_131] {strides = array<i32>} : memref<128x128xf32, #tpu.memory_space<vmem>>, vector<16xf32>,
      %get3A_133 = arith.constant 48 : index
      %get3A_134 = tpu.vector_load %arg10[%get3A_133] {strides = array<i32>} : memref<128xf32, #tpu.memory_space<vmem>>, vector<16xf32>,
      %ge3A_135 = arith.constant 0.000000e+00 : f32
      %ge3A_136 = vector.broadcast %ge3A_135 : f32 to vector<16xf32>
      %ge3A_137 = arith.cmpf oge, %get3A_132, %ge3A_136 : vector<16xf32>
      %mul3A_138 = arith.mulf %get3A_134, %get3A_132 : vector<16xf32>
      %select_n3A_139 = arith.select %ge3A_137, %get3A_132, %mul3A_138 : vector<16xi1>, vector<16xf32>
      %swap3A_140 = arith.index_cast %scan3A_92 : i32 to index
      %swap3A_141 = arith.constant 48 : index
      %swap3A_142 = tpu.vector_load %arg9[%swap3A_140, %swap3A_141] {strides = array<i32>} : memref<128x128xf32, #tpu.memory_space<vmem>>, vector<16xf32>,
      tpu.vector_store %arg9[%swap3A_140, %swap3A_141], %select_n3A_139 {strides = array<i32>} : memref<128x128xf32, #tpu.memory_space<vmem>>, vector<16xf32>,
      %get3A_143 = arith.index_cast %scan3A_92 : i32 to index
      %get3A_144 = arith.constant 64 : index
      %get3A_145 = tpu.vector_load %arg9[%get3A_143, %get3A_144] {strides = array<i32>} : memref<128x128xf32, #tpu.memory_space<vmem>>, vector<16xf32>,
      %get3A_146 = arith.constant 64 : index
      %get3A_147 = tpu.vector_load %arg10[%get3A_146] {strides = array<i32>} : memref<128xf32, #tpu.memory_space<vmem>>, vector<16xf32>,
      %ge3A_148 = arith.constant 0.000000e+00 : f32
      %ge3A_149 = vector.broadcast %ge3A_148 : f32 to vector<16xf32>
      %ge3A_150 = arith.cmpf oge, %get3A_145, %ge3A_149 : vector<16xf32>
      %mul3A_151 = arith.mulf %get3A_147, %get3A_145 : vector<16xf32>
      %select_n3A_152 = arith.select %ge3A_150, %get3A_145, %mul3A_151 : vector<16xi1>, vector<16xf32>
      %swap3A_153 = arith.index_cast %scan3A_92 : i32 to index
      %swap3A_154 = arith.constant 64 : index
      %swap3A_155 = tpu.vector_load %arg9[%swap3A_153, %swap3A_154] {strides = array<i32>} : memref<128x128xf32, #tpu.memory_space<vmem>>, vector<16xf32>,
      tpu.vector_store %arg9[%swap3A_153, %swap3A_154], %select_n3A_152 {strides = array<i32>} : memref<128x128xf32, #tpu.memory_space<vmem>>, vector<16xf32>,
      %get3A_156 = arith.index_cast %scan3A_92 : i32 to index
      %get3A_157 = arith.constant 80 : index
      %get3A_158 = tpu.vector_load %arg9[%get3A_156, %get3A_157] {strides = array<i32>} : memref<128x128xf32, #tpu.memory_space<vmem>>, vector<16xf32>,
      %get3A_159 = arith.constant 80 : index
      %get3A_160 = tpu.vector_load %arg10[%get3A_159] {strides = array<i32>} : memref<128xf32, #tpu.memory_space<vmem>>, vector<16xf32>,
      %ge3A_161 = arith.constant 0.000000e+00 : f32
      %ge3A_162 = vector.broadcast %ge3A_161 : f32 to vector<16xf32>
      %ge3A_163 = arith.cmpf oge, %get3A_158, %ge3A_162 : vector<16xf32>
      %mul3A_164 = arith.mulf %get3A_160, %get3A_158 : vector<16xf32>
      %select_n3A_165 = arith.select %ge3A_163, %get3A_158, %mul3A_164 : vector<16xi1>, vector<16xf32>
      %swap3A_166 = arith.index_cast %scan3A_92 : i32 to index
      %swap3A_167 = arith.constant 80 : index
      %swap3A_168 = tpu.vector_load %arg9[%swap3A_166, %swap3A_167] {strides = array<i32>} : memref<128x128xf32, #tpu.memory_space<vmem>>, vector<16xf32>,
      tpu.vector_store %arg9[%swap3A_166, %swap3A_167], %select_n3A_165 {strides = array<i32>} : memref<128x128xf32, #tpu.memory_space<vmem>>, vector<16xf32>,
      %get3A_169 = arith.index_cast %scan3A_92 : i32 to index
      %get3A_170 = arith.constant 96 : index
      %get3A_171 = tpu.vector_load %arg9[%get3A_169, %get3A_170] {strides = array<i32>} : memref<128x128xf32, #tpu.memory_space<vmem>>, vector<16xf32>,
      %get3A_172 = arith.constant 96 : index
      %get3A_173 = tpu.vector_load %arg10[%get3A_172] {strides = array<i32>} : memref<128xf32, #tpu.memory_space<vmem>>, vector<16xf32>,
      %ge3A_174 = arith.constant 0.000000e+00 : f32
      %ge3A_175 = vector.broadcast %ge3A_174 : f32 to vector<16xf32>
      %ge3A_176 = arith.cmpf oge, %get3A_171, %ge3A_175 : vector<16xf32>
      %mul3A_177 = arith.mulf %get3A_173, %get3A_171 : vector<16xf32>
      %select_n3A_178 = arith.select %ge3A_176, %get3A_171, %mul3A_177 : vector<16xi1>, vector<16xf32>
      %swap3A_179 = arith.index_cast %scan3A_92 : i32 to index
      %swap3A_180 = arith.constant 96 : index
      %swap3A_181 = tpu.vector_load %arg9[%swap3A_179, %swap3A_180] {strides = array<i32>} : memref<128x128xf32, #tpu.memory_space<vmem>>, vector<16xf32>,
      tpu.vector_store %arg9[%swap3A_179, %swap3A_180], %select_n3A_178 {strides = array<i32>} : memref<128x128xf32, #tpu.memory_space<vmem>>, vector<16xf32>,
      %get3A_182 = arith.index_cast %scan3A_92 : i32 to index
      %get3A_183 = arith.constant 112 : index
      %get3A_184 = tpu.vector_load %arg9[%get3A_182, %get3A_183] {strides = array<i32>} : memref<128x128xf32, #tpu.memory_space<vmem>>, vector<16xf32>,
      %get3A_185 = arith.constant 112 : index
      %get3A_186 = tpu.vector_load %arg10[%get3A_185] {strides = array<i32>} : memref<128xf32, #tpu.memory_space<vmem>>, vector<16xf32>,
      %ge3A_187 = arith.constant 0.000000e+00 : f32
      %ge3A_188 = vector.broadcast %ge3A_187 : f32 to vector<16xf32>
      %ge3A_189 = arith.cmpf oge, %get3A_184, %ge3A_188 : vector<16xf32>
      %mul3A_190 = arith.mulf %get3A_186, %get3A_184 : vector<16xf32>
      %select_n3A_191 = arith.select %ge3A_189, %get3A_184, %mul3A_190 : vector<16xi1>, vector<16xf32>
      %swap3A_192 = arith.index_cast %scan3A_92 : i32 to index
      %swap3A_193 = arith.constant 112 : index
      %swap3A_194 = tpu.vector_load %arg9[%swap3A_192, %swap3A_193] {strides = array<i32>} : memref<128x128xf32, #tpu.memory_space<vmem>>, vector<16xf32>,
      tpu.vector_store %arg9[%swap3A_192, %swap3A_193], %select_n3A_191 {strides = array<i32>} : memref<128x128xf32, #tpu.memory_space<vmem>>, vector<16xf32>,
      %scan3A_195 = arith.constant 0 : i32
      scf.yield %scan3A_195 : i32
    }
    %scan3A_89 = arith.constant 128 : i32
    %mul3A_90 = arith.constant 128 : i32
    %mul3A_91 = arith.muli %arg0, %mul3A_90 : i32
    "tpu.region"() ({
      %run_scoped3A = tpu.sem_alloc : memref<!tpu.dma_semaphore, #tpu.memory_space<semaphore_mem>>
      %dma_start3A = arith.constant 0 : i32
      %dma_start3A_92 = arith.constant 0 : i32
      %dma_start3A_93 = tpu.memref_slice %arg9[%dma_start3A, %dma_start3A_92] : memref<128x128xf32, #tpu.memory_space<vmem>> -> memref<128x128xf32, #tpu.memory_space<vmem>>
      %dma_start3A_94 = tpu.memref_slice %arg5[%add3A_82, %mul3A_91] : memref<10240x256xf32, #tpu.memory_space<hbm>> -> memref<128x128xf32, #tpu.memory_space<hbm>>
      %dma_start3A_95 = tpu.memref_slice %arg5[%add3A_82, %mul3A_91] : memref<10240x256xf32, #tpu.memory_space<hbm>> -> memref<128x128xf32, #tpu.memory_space<hbm>>
      %dma_start3A_96 = arith.constant 0 : i32
      %dma_start3A_97 = arith.constant 0 : i32
      %dma_start3A_98 = tpu.memref_slice %arg9[%dma_start3A_96, %dma_start3A_97] : memref<128x128xf32, #tpu.memory_space<vmem>> -> memref<128x128xf32, #tpu.memory_space<vmem>>
      tpu.enqueue_dma source(%dma_start3A_98 : memref<128x128xf32, #tpu.memory_space<vmem>>) target(%dma_start3A_95 : memref<128x128xf32, #tpu.memory_space<hbm>>) target_semaphore(%run_scoped3A : memref<!tpu.dma_semaphore, #tpu.memory_space<semaphore_mem>>)
      %dma_wait3A = arith.constant 0 : i32
      %dma_wait3A_99 = arith.constant 0 : i32
      %dma_wait3A_100 = tpu.memref_slice %arg9[%dma_wait3A, %dma_wait3A_99] : memref<128x128xf32, #tpu.memory_space<vmem>> -> memref<128x128xf32, #tpu.memory_space<vmem>>
      %dma_wait3A_101 = tpu.memref_slice %arg5[%add3A_82, %mul3A_91] : memref<10240x256xf32, #tpu.memory_space<hbm>> -> memref<128x128xf32, #tpu.memory_space<hbm>>
      %dma_wait3A_102 = tpu.memref_slice %arg5[%add3A_82, %mul3A_91] : memref<10240x256xf32, #tpu.memory_space<hbm>> -> memref<128x128xf32, #tpu.memory_space<hbm>>
      %dma_wait3A_103 = arith.constant 0 : i32
      %dma_wait3A_104 = arith.constant 0 : i32
      %dma_wait3A_105 = tpu.memref_slice %arg9[%dma_wait3A_103, %dma_wait3A_104] : memref<128x128xf32, #tpu.memory_space<vmem>> -> memref<128x128xf32, #tpu.memory_space<vmem>>
      tpu.wait_dma2 semaphore(%run_scoped3A : memref<!tpu.dma_semaphore, #tpu.memory_space<semaphore_mem>>) src(%dma_wait3A_105 : memref<128x128xf32, #tpu.memory_space<vmem>>) dst(%dma_wait3A_102 : memref<128x128xf32, #tpu.memory_space<hbm>>)
      tpu.yield
    }) : () -> ()
    return
  }
}

module attributes {stable_mosaic.version = 14 : i64} {
  func.func @_matmul_kernel(%arg0: i32, %arg1: i32, %arg2: memref<1000x256xf32, #tpu.memory_space<vmem>>, %arg3: memref<256x128xf32, #tpu.memory_space<vmem>>, %arg4: memref<1x1000x128xf32, #tpu.memory_space<vmem>>) attributes {dimension_semantics = [#tpu.dimension_semantics<arbitrary>, #tpu.dimension_semantics<arbitrary>], iteration_bounds = array<i64: 2, 10>, scalar_prefetch = 0 : i64, scratch_operands = 0 : i64, tpu.core_type = #tpu.core_type<tc>, window_params = [{transform_indices = @transform_0, window_bounds = array<i64: 1000, 256>}, {transform_indices = @transform_1, window_bounds = array<i64: 256, 128>}, {transform_indices = @transform_2, window_bounds = array<i64: 1, 1000, 128>}]} {
    %get3A = arith.constant 0 : index
    %get3A_0 = arith.constant 0 : index
    %get3A_1 = vector.load %arg2[%get3A, %get3A_0] : memref<1000x256xf32, #tpu.memory_space<vmem>>, vector<1000x256xf32>
    %get3A_2 = arith.constant 0 : index
    %get3A_3 = arith.constant 0 : index
    %get3A_4 = vector.load %arg3[%get3A_2, %get3A_3] : memref<256x128xf32, #tpu.memory_space<vmem>>, vector<256x128xf32>
    %dot_general3A = arith.constant dense<0.000000e+00> : vector<1000x128xf32>
    %dot_general3A_5 = tpu.matmul %get3A_1, %get3A_4, %dot_general3A {dimension_numbers = #tpu.dot_dimension_numbers<[1], [0], [0], [1], [0, 0, 1, 1], [], []>, transpose_lhs_hint = false} : vector<1000x256xf32>, vector<256x128xf32>, vector<1000x128xf32> -> vector<1000x128xf32>
    %swap3A = arith.constant 0 : index
    %swap3A_6 = arith.constant 0 : index
    %swap3A_7 = arith.constant 0 : index
    %swap3A_8 = vector.load %arg4[%swap3A, %swap3A_6, %swap3A_7] : memref<1x1000x128xf32, #tpu.memory_space<vmem>>, vector<1x1000x128xf32>
    %swap3A_9 = vector.shape_cast %swap3A_8 : vector<1x1000x128xf32> to vector<1000x128xf32>
    %swap3A_10 = vector.shape_cast %dot_general3A_5 : vector<1000x128xf32> to vector<1x1000x128xf32>
    tpu.vector_store %arg4[%swap3A, %swap3A_6, %swap3A_7], %swap3A_10 {strides = array<i32>} : memref<1x1000x128xf32, #tpu.memory_space<vmem>>, vector<1x1000x128xf32>,
    return
  }
  func.func @transform_0(%arg0: i32, %arg1: i32) -> (i32, i32) {
    %c0_i32 = arith.constant 0 : i32
    %c0_i32_0 = arith.constant 0 : i32
    return %arg1, %c0_i32 : i32, i32
  }
  func.func @transform_1(%arg0: i32, %arg1: i32) -> (i32, i32) {
    %c0_i32 = arith.constant 0 : i32
    %c0_i32_0 = arith.constant 0 : i32
    return %c0_i32, %arg0 : i32, i32
  }
  func.func @transform_2(%arg0: i32, %arg1: i32) -> (i32, i32, i32) {
    %c0_i32 = arith.constant 0 : i32
    %c0_i32_0 = arith.constant 0 : i32
    return %arg0, %arg1, %c0_i32 : i32, i32, i32
  }
}

</mosaic_0001>

<sc_bundles>
// kernel: kernel.4.cloned.1.call-start
scs
__scs_entry_jumppad:
0x0: {  	(pc) =	sbr.rel $0x88, $3  }
0x1: {  	(tag) =	ssettag $0x0;
	lr =	simm.s32 $0x1  }
0x2: {  	[smem:$0x3F9C] =	sst lr;
	_ =	strace $0xD0000000  }
0x3: {  	_ = 	snop  }
0x4: {  	_ = 	snop  }
0x5: {  	_ = 	snop  }
0x6: {  	_ = 	snop  }
0x7: {  	_ = 	snop  }
__scs_overlays_trampoline_lowered:
0x8: {  	[smem:$0x3FAB] =	sst s0  }
0x9: {  	[smem:$0x3FAC] =	sst s1  }
0xa: {  	[smem:$0x3FAD] =	sst s2  }
0xb: {  	[smem:$0x3FAE] =	sst s3  }
0xc: {  	[smem:$0x3FAF] =	sst s4  }
0xd: {  	[smem:$0x3FB0] =	sst s5  }
0xe: {  	[smem:$0x3FB1] =	sst s6  }
0xf: {  	[smem:$0x3FB2] =	sst s7  }
0x10: {  	[smem:$0x3FB3] =	sst s8  }
0x11: {  	[smem:$0x3FB4] =	sst s9;
	s0 =	simm.s32 @!p0 $0x0  }
0x12: {  	s1 =	sld [smem:$0x3F9A];
	s0 =	simm.s32 @p0 $0x1  }
0x13: {  	[smem:$0x3FB5] =	sst s0;
	s0 =	simm.s32 @!p1 $0x0  }
0x14: {  	s2 =	sld [smem:$0x3F99];
	s0 =	simm.s32 @p1 $0x1  }
0x15: {  	[smem:$0x3FB6] =	sst s0;
	s0 =	simm.s32 @!p2 $0x0  }
0x16: {  	s3 =	sld [smem:$0x3FDB];
	s0 =	simm.s32 @p2 $0x1  }
0x17: {  	s4 =	simm.s32 $0x1BF5;
	[smem:$0x3FB8] =	sst s0  }
0x18: {  	s0 =	sld [smem:$0x3F9B];
	_ =	swait.ge [sflag:s4], $0x0  }
0x19: {  	s7 =	sld [smem:$0x3F9C]  }
0x1a: {  	s8 =	sadd.s32 $0xFFFFE003, lr  }
0x1b: {  	s9 =	sadd.s32 $0xFFFFFEF7, lr;
	s5 =	simm.s32 $0xFFFFFFFF;
	p2 =	slt.u32 s8, $0xFFFFF086  }
0x1c: {  	p1 =	slt.u32 s9, $0xF7A;
	s5 =	simm.s32 @!p2 $0x0  }
0x1d: {  	s5 =	simm.s32 @p1 $0x1;
	p0 =	seq.s32 s7, s2  }
0x1e: {  	s7 =	smul.u32 @!p0 $0xF7A, s2;
	p2 =	seq.s32 @!p0 s5, $0x0  }
0x1f: {  	s9 =	smul.u32 $0xF7A, s1;
	s8 =	simm.s32 @!p0 $0x1BF5;
	p2 =	por !p2, p0  }
0x20: {  	[sflag:s8] =	ssyncset.s32 @!p0 $0xFFFFF086;
	s6 =	sadd.s32 @!p0 s3, s7;
	s7 =	simm.s32 @!p0 $0x108  }
0x21: {  	s3 =	sadd.s32 s3, s9;
	s6 =	sadd.s32 @!p0 $0x88, s6;
	s7 =	simm.s32 @p2 $0x1082  }
0x22: {  	[simem:s7], [sflag:s8] =	dma.local @!p0 [hbm:s6], $0xF7A  }
0x23: {  	s9 =	sor.u32 $0xD0000000, s2;
	s6 =	simm.s32 $0x108;
	_ =	swait.ge @!p0 [sflag:s8], $0x0  }
0x24: {  	s3 =	sadd.s32 $0x88, s3;
	s6 =	simm.s32 @!p1 $0x1082;
	[sflag:s4] =	ssyncset.s32 $0xFFFFF086  }
0x25: {  	[simem:s6], [sflag:s4] =	dma.local [hbm:s3], $0xF7A  }
0x26: {  	[smem:$0x3F9C] =	sst s1;
	(tag) =	ssettag s2;
	_ =	strace s9  }
0x27: {  	s1 =	sld [smem:$0x3FAC]  }
0x28: {  	s2 =	sld [smem:$0x3FAD]  }
0x29: {  	s4 =	sld [smem:$0x3FAF]  }
0x2a: {  	p0 =	seq.s32 s5, $0x0;
	s5 =	sld [smem:$0x3FB0]  }
0x2b: {  	s6 =	sld [smem:$0x3FB1]  }
0x2c: {  	s7 =	sld [smem:$0x3FB2]  }
0x2d: {  	s3 =	simm.s32 $0x108;
	s8 =	sld [smem:$0x3FB3]  }
0x2e: {  	s3 =	simm.s32 @!p0 $0x1082;
	s9 =	sld [smem:$0x3FB4]  }
0x2f: {  	lr =	sadd.s32 s0, s3;
	s0 =	sld [smem:$0x3FAB]  }
0x30: {  	s3 =	sld [smem:$0x3FAE]  }
0x31: {  	[smem:$0x3FB7] =	sst s10  }
0x32: {  	s10 =	sld [smem:$0x3FB5];
	_ =	sdelay $0x3  }
0x33: {  	p0 =	seq.s32 s10, $0x1;
	s10 =	sld [smem:$0x3FB7];
	_ =	sdelay $0x3  }
0x34: {  	[smem:$0x3FB7] =	sst s10  }
0x35: {  	s10 =	sld [smem:$0x3FB6];
	_ =	sdelay $0x3  }
0x36: {  	p1 =	seq.s32 s10, $0x1;
	s10 =	sld [smem:$0x3FB7];
	_ =	sdelay $0x3  }
0x37: {  	[smem:$0x3FB7] =	sst s10  }
0x38: {  	s10 =	sld [smem:$0x3FB8]  }
0x39: {  	_ = 	snop;
	(pc) =	sbr.ind lr, $3  }
0x3a: {  	_ = 	snop  }
0x3b: {  	_ = 	snop  }
0x3c: {  	p2 =	seq.s32 s10, $0x1;
	s10 =	sld [smem:$0x3FB7]  }
0x3d: {  	_ =	shalt  }
0x3e: {  	_ =	shalt  }
0x3f: {  	_ =	shalt  }
0x40: {  	_ =	shalt  }
0x41: {  	_ =	shalt  }
0x42: {  	_ =	shalt  }
0x43: {  	_ =	shalt  }
0x44: {  	_ =	shalt  }
0x45: {  	_ =	shalt  }
0x46: {  	_ =	shalt  }
0x47: {  	_ =	shalt  }
0x48: {  	_ =	shalt  }
0x49: {  	_ =	shalt  }
0x4a: {  	_ =	shalt  }
0x4b: {  	_ =	shalt  }
0x4c: {  	_ =	shalt  }
0x4d: {  	_ =	shalt  }
0x4e: {  	_ =	shalt  }
0x4f: {  	_ =	shalt  }
0x50: {  	_ =	shalt  }
0x51: {  	_ =	shalt  }
0x52: {  	_ =	shalt  }
0x53: {  	_ =	shalt  }
0x54: {  	_ =	shalt  }
0x55: {  	_ =	shalt  }
0x56: {  	_ =	shalt  }
0x57: {  	_ =	shalt  }
0x58: {  	_ =	shalt  }
0x59: {  	_ =	shalt  }
0x5a: {  	_ =	shalt  }
0x5b: {  	_ =	shalt  }
0x5c: {  	_ =	shalt  }
0x5d: {  	_ =	shalt  }
0x5e: {  	_ =	shalt  }
0x5f: {  	_ =	shalt  }
0x60: {  	_ =	shalt  }
0x61: {  	_ =	shalt  }
0x62: {  	_ =	shalt  }
0x63: {  	_ =	shalt  }
0x64: {  	_ =	shalt  }
0x65: {  	_ =	shalt  }
0x66: {  	_ =	shalt  }
0x67: {  	_ =	shalt  }
0x68: {  	_ =	shalt  }
0x69: {  	_ =	shalt  }
0x6a: {  	_ =	shalt  }
0x6b: {  	_ =	shalt  }
0x6c: {  	_ =	shalt  }
0x6d: {  	_ =	shalt  }
0x6e: {  	_ =	shalt  }
0x6f: {  	_ =	shalt  }
0x70: {  	_ =	shalt  }
0x71: {  	_ =	shalt  }
0x72: {  	_ =	shalt  }
0x73: {  	_ =	shalt  }
0x74: {  	_ =	shalt  }
0x75: {  	_ =	shalt  }
0x76: {  	_ =	shalt  }
0x77: {  	_ =	shalt  }
0x78: {  	_ =	shalt  }
0x79: {  	_ =	shalt  }
0x7a: {  	_ =	shalt  }
0x7b: {  	_ =	shalt  }
0x7c: {  	_ =	shalt  }
0x7d: {  	_ =	shalt  }
0x7e: {  	_ =	shalt  }
0x7f: {  	_ =	shalt  }
0x80: {  	_ =	shalt  }
0x81: {  	_ =	shalt  }
0x82: {  	_ =	shalt  }
0x83: {  	_ =	shalt  }
0x84: {  	_ =	shalt  }
0x85: {  	_ =	shalt  }
0x86: {  	_ =	shalt  }
0x87: {  	_ =	shalt  }
.Lfunc_end0:
.L_simem_size_0:
called_computation_lowered:
.L_overlay_start_0:
0x88: {  	s2 =	sld [smem:$0x3FD9]  }
0x89: {  	s3 =	sld [smem:$0x3FFE];
	_ =	sdelay $0x1  }
0x8a: {  	s1 =	srdreg.scid  }
0x8b: {  	s0 =	sand.u32 $0x1, s1  }
0x8c: {  	s17 =	sshll.u32 s0, $0xA;
	s2 =	sadd.s32 s3, s2  }
0x8d: {  	s2 =	sadd.s32 s2, s17  }
0x8e: {  	[smem:$0x3FC3] =	sst s2  }
0x8f: {  	_ = 	snop  }
0x90: {  	s2 =	sld [smem:$0x3FC5]  }
0x91: {  	s18 =	sld [smem:$0x3FD0];
	(tm) =	ssettm $0x1  }
0x92: {  	s4 =	sld [smem:$0x3FFB];
	_ =	sdelay $0x3  }
0x93: {  	_ =	strace s4  }
0x94: {  	s4 =	sld [smem:$0x3FFC];
	_ =	sdelay $0x3  }
0x95: {  	_ =	strace s4  }
0x96: {  	s4 =	sld [smem:$0x3FFD];
	_ =	sdelay $0x3  }
0x97: {  	_ =	strace s4  }
0x98: {  	_ =	strace $0x8FFFFFFF  }
0x99: {  	s19 =	sld [smem:$0x3FDB];
	_ =	sdelay $0x1  }
0x9a: {  	s5 =	simm.s32 $_scs_section_size  }
0x9b: {  	s6 =	simm.s32 $_size__tile_overlayer_lowered;
	s7 =	simm.s32 $_tile_overlayer_lowered  }
0x9c: {  	s22 =	simm.s32 $0x1BFF;
	s21 =	sshll.u32 s7, $0x1;
	s4 =	sadd.s32 s5, s19  }
0x9d: {  	s8 =	simm.s32 $0x0;
	s20 =	sshll.u32 s6, $0x1;
	s6 =	sadd.s32 s21, s4  }
0x9e: {  	[timem:s8], [sflag:s22] =	dma.local [hbm:s6], s20  }
0x9f: {  	_ =	swait.ge [sflag:s22], s20  }
0xa0: {  	s5 =	ssub.s32 $0x0, s20;
	[sflag:s22] =	ssyncset.done $0x0  }
0xa1: {  	[sflag:s22] =	ssyncadd.s32 s5;
	_ =	sdelay $0x1  }
0xa2: {  	s23 =	simm.s32 $0x1B8B  }
0xa3: {  	_ =	swait.ge [sflag:s23], $0x1  }
0xa4: {  	[sflag:s23] =	ssyncset.done $0x0  }
0xa5: {  	s25 =	simm.s32 $0x1B8E;
	s24 =	sld [smem:$0x3FFE];
	[sflag:s23] =	ssyncadd.s32 $0xFFFFFFFF  }
0xa6: {  	s26 =	simm.s32 $execute0_lowered;
	[smem:$0x3FD2] =	sst s25  }
0xa7: {  	s6 =	sshll.u32 s26, $0x1;
	_ =	strace $0x80000046;
	[dreg:$0x1] =	wrdreg $0xFFFFFFFF  }
0xa8: {  	s28 =	simm.s32 $_size_execute0_lowered;
	s4 =	sadd.s32 s4, s6;
	[dreg:$0x0] =	wrdreg $0x0  }
0xa9: {  	s6 =	sshll.u32 s28, $0x1;
	[dreg:$0x2] =	wrdreg s4  }
0xaa: {  	[dreg:$0x3] =	wrdreg s6  }
0xab: {  	[dreg:$0x4] =	wrdreg $0xC0  }
0xac: {  	_ =	task [dreg:s8], $0x5FFFF  }
0xad: {  	[dreg:$0x1] =	wrdreg $0xFFFFFFFF  }
0xae: {  	[dreg:$0x0] =	wrdreg $0x60  }
0xaf: {  	[dreg:$0x2] =	wrdreg s18  }
0xb0: {  	[dreg:$0x3] =	wrdreg s24  }
0xb1: {  	[dreg:$0x4] =	wrdreg s2  }
0xb2: {  	[dreg:$0x5] =	wrdreg $0x0  }
0xb3: {  	[dreg:$0x6] =	wrdreg $0x9  }
0xb4: {  	_ =	task.clear_ibuf [dreg:s8], $0x7FFFF;
	_ =	strace $0x90000046  }
0xb5: {  	s29 =	simm.s32 $0x9;
	_ =	strace $0x80000048  }
0xb6: {  	_ =	swait.ge [sflag:s29], $0x1  }
0xb7: {  	[sflag:s29] =	ssyncadd.s32 $0xFFFFFFFF  }
0xb8: {  	_ =	strace $0x90000048  }
0xb9: {  	_ =	sfence  }
0xba: {  	s30 =	sld [smem:$0x0];
	_ =	sdelay $0x2  }
0xbb: {  	s31 =	sshll.u32 s1, $0xD;
	s1 =	sshrl.u32 s1, $0x2  }
0xbc: {  	s3 =	sand.u32 $0x4000, s31;
	s1 =	sadd.s32 s1, s30  }
0xbd: {  	s0 =	sor.u32 s3, s0;
	s1 =	sshll.u32 s1, $0x11  }
0xbe: {  	s0 =	sor.u32 s1, s0  }
0xbf: {  	s0 =	sadd.s32 $0x8F2B, s0  }
0xc0: {  	[sflag:s0] =	ssyncadd.remote.s32 $0x1  }
0xc1: {  	_ =	sfence.sel $0xFFFF  }
0xc2: {  	[dreg:$0x0] =	wrdreg $0xFFFFFFFF;
	(pc) =	sbr.abs _section_cstart, $3  }
0xc3: {  	[dreg:$0x1] =	wrdreg $0xFFFFFFFF  }
0xc4: {  	_ =	task.clear_ibuf [dreg:s8], $0x2FFFF;
	_ =	strace $0x9FFFFFFF  }
0xc5: {  	(tm) =	ssettm $0x7FFFFFFF  }
tec
execute0_lowered:
.L_overlay_start_1:
0x0: {  	(tag) =	ssettag $0x1  }
0x1: {  	s1 =	rddreg [dreg:$0x0]  }
0x2: {  	s0 =	rddreg [dreg:$0x1]  }
0x3: {  	s2 =	rddreg [dreg:$0x2]  }
0x4: {  	s3 =	rddreg [dreg:$0x3];
	s4 =	simm.s32 $0x0  }
0x5: {  	s5 =	srdreg.scid;
	s14 =	stileid.u32;
	s28 =	simm.s32 $0x14100  }
0x6: {  	s29 =	simm.s32 $0x400;
	s30 =	simm.s32 $0x800;
	s9 =	smul.u32 $0x280, s14  }
0x7: {  	[smem:$0x7FF] =	sst s4;
	s11 =	sand.u32 $0x1, s5;
	s7 =	smul.u32 $0x50000, s14  }
0x8: {  	s5 =	sadd.s32 $0xE00, s0;
	s0 =	sadd.s32 $0x14800, s0;
	s20 =	smul.u32 $0x28000, s14  }
0x9: {  	p0 =	slt.u32 s14, $0x2;
	_ =	strace $0x80000047;
	s6 =	ssub.s32 $0x2, s11  }
0xa: {  	s22 =	smul.u32 $0x2710, s11;
	s8 =	sshrl.u32 s6, $0x1;
	s13 =	sadd.s32 $0x80, s9  }
0xb: {  	s16 =	sadd.s32 $0x100, s9;
	s17 =	sadd.s32 $0x180, s9;
	s18 =	sadd.s32 $0x200, s9  }
0xc: {  	s19 =	ssub.s32 s6, s8;
	s8 =	sshrl.u32 s7, $0x2;
	s10 =	sshll.u32 s13, $0x7  }
0xd: {  	s12 =	sshll.u32 s16, $0x7;
	s15 =	sshll.u32 s18, $0x7;
	s13 =	sshll.u32 s13, $0x8  }
0xe: {  	s23 =	sshll.u32 s16, $0x8;
	s24 =	sshll.u32 s17, $0x8;
	s25 =	sshll.u32 s18, $0x8  }
0xf: {  	s6 =	sadd.s32 s8, s3;
	s7 =	sadd.s32 s10, s3;
	s8 =	sadd.s32 s12, s3  }
0x10: {  	s10 =	sshll.u32 s17, $0x7;
	s12 =	sshll.u32 s11, $0x4;
	s11 =	sshll.u32 s11, $0xA  }
0x11: {  	s19 =	smax.u32 s19, $0x1;
	s9 =	sadd.s32 s10, s3;
	s10 =	sadd.s32 s15, s3  }
0x12: {  	s2 =	sadd.s32 s2, s12;
	s12 =	simm.s32 $0x4F;
	s15 =	sor.u32 s11, s13  }
0x13: {  	s13 =	sshll.u32 s14, $0x9;
	s16 =	sor.u32 s11, s24;
	s24 =	simm.s32 $0x80  }
0x14: {  	[dreg:$0x5] =	wrdreg s2;
	s2 =	sor.u32 s11, s20;
	s12 =	simm.s32 @!p0 $0x4E  }
0x15: {  	s21 =	sshrl.u32 s15, $0x3;
	s26 =	sshrl.u32 s16, $0x3;
	s20 =	simm.s32 $0x14280  }
0x16: {  	s2 =	sshrl.u32 s2, $0x3;
	s15 =	sadd.s32 s0, s21;
	s17 =	sadd.s32 s0, s26  }
0x17: {  	s21 =	simm.s32 $0x2;
	s26 =	simm.s32 $0x1;
	s2 =	sadd.s32 s0, s2  }
0x18: {  	[dreg:$0x6] =	wrdreg s2;
	s2 =	sor.u32 s11, s23;
	s11 =	sor.u32 s11, s25  }
0x19: {  	s23 =	simm.s32 $0x14000;
	s2 =	sshrl.u32 s2, $0x3;
	s31 =	sshrl.u32 s11, $0x3  }
0x1a: {  	v1 =	vimm.f32 $0.0e+00;
	v0 =	vmov s22;
	s25 =	simm.s32 $0x14200;
	s16 =	sadd.s32 s0, s2;
	s18 =	sadd.s32 s0, s31  }
.LBB2_1:
0x1b: {  	s0 =	simm.s32 $0x0;
	s2 =	simm.s32 $0x200  }
.LBB2_2:
0x1c: {  	p0 =	sne.s32 s2, $0xFE00;
	[tilespmem:s0+$0x142F0] =	vst v1  }
0x1d: {  	[tilespmem:s0+$0x14280] =	vst v1  }
0x1e: {  	[tilespmem:s0+$0x14290] =	vst v1  }
.Ltmp0:
0x1f: {  	[tilespmem:s0+$0x142A0] =	vst v1;
	(pc) =	sbr.rel @p0 .LBB2_2-.Ltmp0, $4  }
0x20: {  	[tilespmem:s0+$0x142B0] =	vst v1  }
0x21: {  	[tilespmem:s0+$0x142C0] =	vst v1  }
0x22: {  	[tilespmem:s0+$0x142D0] =	vst v1  }
0x23: {  	[tilespmem:s0+$0x142E0] =	vst v1;
	s0 =	sshra.s32 s2, $0x2;
	s2 =	sadd.s32 $0x200, s2  }
0x24: {  	[tilespmem:s0+$0x142F0] =	vst v1  }
0x25: {  	[tilespmem:s0+$0x14280] =	vst v1  }
0x26: {  	[tilespmem:s0+$0x14290] =	vst v1  }
0x27: {  	[tilespmem:s0+$0x142A0] =	vst v1  }
0x28: {  	[tilespmem:s0+$0x142B0] =	vst v1  }
0x29: {  	[tilespmem:s0+$0x142C0] =	vst v1  }
0x2a: {  	[tilespmem:s0+$0x142D0] =	vst v1  }
0x2b: {  	[tilespmem:s0+$0x142E0] =	vst v1  }
0x2c: {  	[spmem:s6] =	stream.linear.scatter [tilespmem:s20], [sflag:$0x2], $0x4000, $0x38;
	[tilespmem:$0x18300] =	vst v63  }
0x2d: {  	_ =	swait.ge [sflag:s21], $0x4000  }
0x2e: {  	[sflag:s21] =	ssyncset.done $0x0  }
0x2f: {  	[sflag:s21] =	ssyncadd.s32 $0xFFFFC000  }
0x30: {  	[spmem:s7] =	stream.linear.scatter [tilespmem:s20], [sflag:$0x2], $0x4000, $0x38;
	[tilespmem:$0x18300] =	vst v63  }
0x31: {  	_ =	swait.ge [sflag:s21], $0x4000  }
0x32: {  	[sflag:s21] =	ssyncset.done $0x0  }
0x33: {  	[sflag:s21] =	ssyncadd.s32 $0xFFFFC000  }
0x34: {  	[spmem:s8] =	stream.linear.scatter [tilespmem:s20], [sflag:$0x2], $0x4000, $0x38;
	[tilespmem:$0x18300] =	vst v63  }
0x35: {  	_ =	swait.ge [sflag:s21], $0x4000  }
0x36: {  	[sflag:s21] =	ssyncset.done $0x0  }
0x37: {  	[sflag:s21] =	ssyncadd.s32 $0xFFFFC000  }
0x38: {  	[spmem:s9] =	stream.linear.scatter [tilespmem:s20], [sflag:$0x2], $0x4000, $0x38;
	[tilespmem:$0x18300] =	vst v63  }
0x39: {  	_ =	swait.ge [sflag:s21], $0x4000  }
0x3a: {  	[sflag:s21] =	ssyncset.done $0x0  }
0x3b: {  	[sflag:s21] =	ssyncadd.s32 $0xFFFFC000  }
0x3c: {  	[spmem:s10] =	stream.linear.scatter [tilespmem:s20], [sflag:$0x2], $0x4000, $0x38;
	[tilespmem:$0x18300] =	vst v63  }
0x3d: {  	_ =	swait.ge [sflag:s21], $0x4000  }
0x3e: {  	s31 =	simm.s32 $0x0;
	[sflag:s21] =	ssyncset.done $0x0  }
0x3f: {  	s2 =	simm.s32 $0x18280;
	s22 =	rddreg [dreg:$0x5];
	[sflag:s21] =	ssyncadd.s32 $0xFFFFC000  }
0x40: {  	[tilespmem:s2], [sflag:$0x2] =	stream.linear.gather [hbm4b:s22+s31], $0x80, $0x38;
	[tilespmem:$0x18300] =	vst v63  }
0x41: {  	_ =	swait.ge [sflag:s21], $0x80  }
0x42: {  	[sflag:s21] =	ssyncset.done $0x0  }
0x43: {  	[sflag:s21] =	ssyncadd.s32 $0xFFFFFF80  }
0x44: {  	s0 =	simm.s32 $0x0;
	[bflag:$0x0] =	sbarrier.arrive $0xFFFF  }
.LBB2_4:
0x45: {  	s2 =	sshll.u32 s0, $0xD  }
0x46: {  	s2 =	sor.u32 s13, s2  }
0x47: {  	s2 =	sshrl.u32 s2, $0x3  }
0x48: {  	s2 =	sadd.s32 s5, s2  }
0x49: {  	[tilespmem:s23], [sflag:$0x2] =	stream.linear.gather [hbm4b:s2+s31], $0x180, $0x38;
	[tilespmem:$0x18300] =	vst v63  }
0x4a: {  	_ =	swait.ge [sflag:s21], $0x180  }
0x4b: {  	[sflag:s21] =	ssyncset.done $0x0  }
0x4c: {  	[sflag:s21] =	ssyncadd.s32 $0xFFFFFE80  }
0x4d: {  	v2 =	vld [tilespmem:$0x14080]  }
0x4e: {  	v3 =	vld [tilespmem:$0x14090]  }
0x4f: {  	v4 =	vld [tilespmem:$0x140A0]  }
0x50: {  	v5 =	vld [tilespmem:$0x140B0]  }
0x51: {  	v6 =	vld [tilespmem:$0x140C0]  }
0x52: {  	v7 =	vld [tilespmem:$0x140D0];
	v2 =	vadd.s32 v0, v2  }
0x53: {  	[tilespmem:$0x14200] =	vst v2;
	v2 =	vadd.s32 v0, v3;
	v3 =	vld [tilespmem:$0x140E0]  }
0x54: {  	[tilespmem:$0x14210] =	vst v2;
	v2 =	vadd.s32 v0, v4;
	v4 =	vld [tilespmem:$0x140F0]  }
0x55: {  	[tilespmem:$0x14220] =	vst v2;
	v2 =	vadd.s32 v0, v5  }
0x56: {  	[tilespmem:$0x14230] =	vst v2;
	v2 =	vadd.s32 v0, v6  }
0x57: {  	[tilespmem:$0x14240] =	vst v2;
	v2 =	vadd.s32 v0, v7  }
0x58: {  	[tilespmem:$0x14250] =	vst v2;
	v2 =	vadd.s32 v0, v3  }
0x59: {  	[tilespmem:$0x14260] =	vst v2;
	v2 =	vadd.s32 v0, v4  }
0x5a: {  	[tilespmem:$0x14270] =	vst v2  }
0x5b: {  	[tilespmem:s20], [sflag:$0x1] =	stream.indirect.gather [hbm4b:s1+s24], $0x80, s25, s24, $0xb8;
	[tilespmem:$0x18300] =	vst v63  }
0x5c: {  	_ =	swait.ge [sflag:s26], $0x4000  }
0x5d: {  	v2 =	vmov s31;
	[sflag:s26] =	ssyncset.done $0x0  }
0x5e: {  	s2 =	simm.s32 $0x142C0;
	[sflag:s26] =	ssyncadd.s32 $0xFFFFC000  }
0x5f: {  	v6 =	vld [tilespmem:s2+$0x30]  }
0x60: {  	v9 =	vld [tilespmem:s2+$0x10]  }
0x61: {  	v7 =	vld [tilespmem:s2+$0xFFFFFFC0]  }
0x62: {  	v3 =	vld.idx.msk [tilespmem:v2+s28+$0x0], $0xffff  }
0x63: {  	v11 =	vld [tilespmem:s2+$0xFFFFFFE0]  }
0x64: {  	v2 =	vld [tilespmem:s2+$0xFFFFFFF0]  }
0x65: {  	v4 =	vld [tilespmem:s2+$0x20]  }
0x66: {  	v5 =	vld [tilespmem:s2+$0xFFFFFFD0]  }
0x67: {  	v10 =	vmul.f32 v3, v6;
	v6 =	vld [tilespmem:s2+$0x0]  }
0x68: {  	v8 =	vmul.f32 v3, v7  }
0x69: {  	s22 =	simm.s32 $0x1;
	s11 =	simm.s32 $0x142C0;
	v7 =	vmul.f32 v3, v11;
	v9 =	vmul.f32 v3, v9  }
.LBB2_5:
0x6a: {  	p0 =	sne.s32 s22, $0x7F  }
0x6b: {  	v5 =	vmul.f32 v3, v5;
	v4 =	vmul.f32 v3, v4;
	[tilespmem:s2+$0x30] =	vst v10;
	s11 =	sadd.s32 $0x80, s11;
	s14 =	smov.u32 s22;
	s22 =	sadd.s32 $0x1, s22  }
0x6c: {  	[tilespmem:s2+$0xFFFFFFC0] =	vst v8;
	v8 =	vmul.f32 v3, v2;
	v3 =	vmul.f32 v3, v6  }
0x6d: {  	[tilespmem:s2+$0x10] =	vst v9  }
0x6e: {  	v6 =	vmov s14;
	[tilespmem:s2+$0xFFFFFFE0] =	vst v7  }
0x6f: {  	v2 =	vld [tilespmem:s11+$0xFFFFFFF0];
	[tilespmem:s2+$0xFFFFFFF0] =	vst v8  }
0x70: {  	v7 =	vld [tilespmem:s11+$0x30];
	[tilespmem:s2+$0x0] =	vst v3  }
0x71: {  	v9 =	vld [tilespmem:s11+$0x10];
	[tilespmem:s2+$0x20] =	vst v4  }
0x72: {  	v8 =	vld [tilespmem:s11+$0xFFFFFFC0];
	[tilespmem:s2+$0xFFFFFFD0] =	vst v5;
	s2 =	smov.u32 s11  }
0x73: {  	v3 =	vld.idx.msk [tilespmem:v6+s28+$0x0], $0xffff  }
0x74: {  	v11 =	vld [tilespmem:s11+$0xFFFFFFE0]  }
0x75: {  	v4 =	vld [tilespmem:s11+$0x20]  }
.Ltmp1:
0x76: {  	v5 =	vld [tilespmem:s11+$0xFFFFFFD0];
	(pc) =	sbr.rel @p0 .LBB2_5-.Ltmp1, $3  }
0x77: {  	v6 =	vld [tilespmem:s11+$0x0];
	_ =	sdelay $0x1  }
0x78: {  	v8 =	vmul.f32 v3, v8;
	v10 =	vmul.f32 v3, v7  }
0x79: {  	v9 =	vmul.f32 v3, v9;
	v7 =	vmul.f32 v3, v11  }
0x7a: {  	[tilespmem:s2+$0x30] =	vst v10  }
0x7b: {  	[tilespmem:s2+$0xFFFFFFC0] =	vst v8  }
0x7c: {  	v2 =	vmul.f32 v3, v2;
	[tilespmem:s2+$0x10] =	vst v9  }
0x7d: {  	v4 =	vmul.f32 v3, v4;
	[tilespmem:s2+$0xFFFFFFE0] =	vst v7  }
0x7e: {  	v6 =	vmul.f32 v3, v6;
	[tilespmem:s2+$0xFFFFFFF0] =	vst v2  }
0x7f: {  	s0 =	sadd.s32 $0x1, s0;
	v2 =	vmul.f32 v3, v5;
	[tilespmem:s2+$0x20] =	vst v4  }
0x80: {  	p0 =	sne.s32 s0, s12;
	[tilespmem:s2+$0x0] =	vst v6  }
.Ltmp2:
0x81: {  	[tilespmem:s2+$0xFFFFFFD0] =	vst v2;
	(pc) =	sbr.rel @p0 .LBB2_4-.Ltmp2, $4  }
0x82: {  	[spmem:s3] =	stream.indirect.scatter.add.f32 [tilespmem:s20], [sflag:$0x2], $0x80, s23, s24, $0xb8;
	[tilespmem:$0x18300] =	vst v63  }
0x83: {  	_ =	swait.ge [sflag:s21], $0x4000  }
0x84: {  	[sflag:s21] =	ssyncset.done $0x0  }
0x85: {  	[sflag:s21] =	ssyncadd.s32 $0xFFFFC000  }
0x86: {  	[bflag:$0x0] =	sbarrier.arrive $0xFFFF  }
0x87: {  	[tilespmem:s20], [sflag:$0x2] =	stream.linear.gather [spmem:s6], $0x4000, $0x38;
	[tilespmem:$0x18300] =	vst v63  }
0x88: {  	_ =	swait.ge [sflag:s21], $0x4000  }
0x89: {  	[sflag:s21] =	ssyncset.done $0x0  }
0x8a: {  	s31 =	simm.s32 $0x0;
	[sflag:s21] =	ssyncadd.s32 $0xFFFFC000  }
0x8b: {  	s0 =	simm.s32 $0x200;
	v2 =	vld [tilespmem:s31+$0x14280]  }
.LBB2_8:
0x8c: {  	p0 =	sne.s32 s0, $0xFE00;
	v3 =	vld [tilespmem:$0x18280];
	_ =	sdelay $0x4  }
0x8d: {  	v3 =	vmul.f32 v3, v2  }
0x8e: {  	vm0 =	vge.f32 v2, $0.0e+00  }
0x8f: {  	v2 =	vsel vm0, v2, v3  }
0x90: {  	[tilespmem:s31+$0x14280] =	vst v2;
	v2 =	vld [tilespmem:s31+$0x14290]  }
0x91: {  	v3 =	vld [tilespmem:$0x18290];
	_ =	sdelay $0x4  }
0x92: {  	v3 =	vmul.f32 v3, v2  }
0x93: {  	vm0 =	vge.f32 v2, $0.0e+00  }
0x94: {  	v2 =	vsel vm0, v2, v3  }
0x95: {  	[tilespmem:s31+$0x14290] =	vst v2;
	v2 =	vld [tilespmem:s31+$0x142A0]  }
0x96: {  	v3 =	vld [tilespmem:$0x182A0];
	_ =	sdelay $0x4  }
0x97: {  	v3 =	vmul.f32 v3, v2  }
0x98: {  	vm0 =	vge.f32 v2, $0.0e+00  }
0x99: {  	v2 =	vsel vm0, v2, v3  }
0x9a: {  	[tilespmem:s31+$0x142A0] =	vst v2;
	v2 =	vld [tilespmem:s31+$0x142B0]  }
0x9b: {  	v3 =	vld [tilespmem:$0x182B0];
	_ =	sdelay $0x4  }
0x9c: {  	v3 =	vmul.f32 v3, v2  }
0x9d: {  	vm0 =	vge.f32 v2, $0.0e+00  }
0x9e: {  	v2 =	vsel vm0, v2, v3  }
0x9f: {  	[tilespmem:s31+$0x142B0] =	vst v2;
	v2 =	vld [tilespmem:s31+$0x142C0]  }
0xa0: {  	v3 =	vld [tilespmem:$0x182C0];
	_ =	sdelay $0x4  }
0xa1: {  	v3 =	vmul.f32 v3, v2  }
0xa2: {  	vm0 =	vge.f32 v2, $0.0e+00  }
0xa3: {  	v2 =	vsel vm0, v2, v3  }
0xa4: {  	[tilespmem:s31+$0x142C0] =	vst v2;
	v2 =	vld [tilespmem:s31+$0x142D0]  }
0xa5: {  	v3 =	vld [tilespmem:$0x182D0];
	_ =	sdelay $0x4  }
0xa6: {  	v3 =	vmul.f32 v3, v2  }
0xa7: {  	vm0 =	vge.f32 v2, $0.0e+00  }
0xa8: {  	v2 =	vsel vm0, v2, v3  }
0xa9: {  	[tilespmem:s31+$0x142D0] =	vst v2;
	v2 =	vld [tilespmem:s31+$0x142E0]  }
0xaa: {  	v3 =	vld [tilespmem:$0x182E0];
	_ =	sdelay $0x4  }
0xab: {  	v3 =	vmul.f32 v3, v2  }
0xac: {  	vm0 =	vge.f32 v2, $0.0e+00  }
0xad: {  	v2 =	vsel vm0, v2, v3  }
0xae: {  	[tilespmem:s31+$0x142E0] =	vst v2;
	v2 =	vld [tilespmem:s31+$0x142F0]  }
0xaf: {  	v3 =	vld [tilespmem:$0x182F0];
	_ =	sdelay $0x3  }
.Ltmp3:
0xb0: {  	(pc) =	sbr.rel @p0 .LBB2_8-.Ltmp3, $4  }
0xb1: {  	v3 =	vmul.f32 v3, v2  }
0xb2: {  	vm0 =	vge.f32 v2, $0.0e+00  }
0xb3: {  	s2 =	sshra.s32 s0, $0x2;
	v3 =	vsel vm0, v2, v3  }
0xb4: {  	s0 =	sadd.s32 $0x200, s0;
	v2 =	vld [tilespmem:s2+$0x14280];
	[tilespmem:s31+$0x142F0] =	vst v3;
	s31 =	smov.u32 s2  }
0xb5: {  	v3 =	vld [tilespmem:$0x18280];
	_ =	sdelay $0x4  }
0xb6: {  	v3 =	vmul.f32 v3, v2  }
0xb7: {  	vm0 =	vge.f32 v2, $0.0e+00  }
0xb8: {  	v2 =	vsel vm0, v2, v3  }
0xb9: {  	[tilespmem:s31+$0x14280] =	vst v2;
	v2 =	vld [tilespmem:s31+$0x14290]  }
0xba: {  	v3 =	vld [tilespmem:$0x18290];
	_ =	sdelay $0x4  }
0xbb: {  	v3 =	vmul.f32 v3, v2  }
0xbc: {  	vm9 =	vge.f32 v2, $0.0e+00  }
0xbd: {  	v2 =	vsel vm9, v2, v3  }
0xbe: {  	[tilespmem:s31+$0x14290] =	vst v2;
	v2 =	vld [tilespmem:s31+$0x142A0]  }
0xbf: {  	v3 =	vld [tilespmem:$0x182A0];
	_ =	sdelay $0x4  }
0xc0: {  	v3 =	vmul.f32 v3, v2  }
0xc1: {  	vm10 =	vge.f32 v2, $0.0e+00  }
0xc2: {  	v2 =	vsel vm10, v2, v3  }
0xc3: {  	[tilespmem:s31+$0x142A0] =	vst v2;
	v2 =	vld [tilespmem:s31+$0x142B0]  }
0xc4: {  	v3 =	vld [tilespmem:$0x182B0];
	_ =	sdelay $0x4  }
0xc5: {  	v3 =	vmul.f32 v3, v2  }
0xc6: {  	vm11 =	vge.f32 v2, $0.0e+00  }
0xc7: {  	v2 =	vsel vm11, v2, v3  }
0xc8: {  	[tilespmem:s31+$0x142B0] =	vst v2;
	v2 =	vld [tilespmem:s31+$0x142C0]  }
0xc9: {  	v3 =	vld [tilespmem:$0x182C0];
	_ =	sdelay $0x4  }
0xca: {  	v3 =	vmul.f32 v3, v2  }
0xcb: {  	vm12 =	vge.f32 v2, $0.0e+00  }
0xcc: {  	v2 =	vsel vm12, v2, v3  }
0xcd: {  	[tilespmem:s31+$0x142C0] =	vst v2;
	v2 =	vld [tilespmem:s31+$0x142D0]  }
0xce: {  	v3 =	vld [tilespmem:$0x182D0];
	_ =	sdelay $0x4  }
0xcf: {  	v3 =	vmul.f32 v3, v2  }
0xd0: {  	vm13 =	vge.f32 v2, $0.0e+00  }
0xd1: {  	v2 =	vsel vm13, v2, v3  }
0xd2: {  	[tilespmem:s31+$0x142D0] =	vst v2;
	v2 =	vld [tilespmem:s31+$0x142E0]  }
0xd3: {  	v3 =	vld [tilespmem:$0x182E0];
	_ =	sdelay $0x4  }
0xd4: {  	v3 =	vmul.f32 v3, v2  }
0xd5: {  	vm14 =	vge.f32 v2, $0.0e+00  }
0xd6: {  	v2 =	vsel vm14, v2, v3  }
0xd7: {  	[tilespmem:s31+$0x142E0] =	vst v2;
	v2 =	vld [tilespmem:s31+$0x142F0]  }
0xd8: {  	v3 =	vld [tilespmem:$0x182F0];
	_ =	sdelay $0x4  }
0xd9: {  	v3 =	vmul.f32 v3, v2  }
0xda: {  	vm15 =	vge.f32 v2, $0.0e+00  }
0xdb: {  	v2 =	vsel vm15, v2, v3  }
0xdc: {  	s0 =	rddreg [dreg:$0x6];
	[tilespmem:s31+$0x142F0] =	vst v2  }
0xdd: {  	[hbm4b:s0+s29] =	stream.strided.scatter [tilespmem:s20], [sflag:$0x2], $0x4000, s30, s29, $0x38;
	[tilespmem:$0x18300] =	vst v63  }
0xde: {  	_ =	swait.ge [sflag:s21], $0x4000  }
0xdf: {  	[sflag:s21] =	ssyncset.done $0x0  }
0xe0: {  	[sflag:s21] =	ssyncadd.s32 $0xFFFFC000  }
0xe1: {  	[tilespmem:s20], [sflag:$0x2] =	stream.linear.gather [spmem:s7], $0x4000, $0x38;
	[tilespmem:$0x18300] =	vst v63  }
0xe2: {  	_ =	swait.ge [sflag:s21], $0x4000  }
0xe3: {  	[sflag:s21] =	ssyncset.done $0x0  }
0xe4: {  	s31 =	simm.s32 $0x0;
	[sflag:s21] =	ssyncadd.s32 $0xFFFFC000  }
0xe5: {  	s0 =	simm.s32 $0x200;
	v2 =	vld [tilespmem:s31+$0x14280]  }
.LBB2_10:
0xe6: {  	p0 =	sne.s32 s0, $0xFE00;
	v3 =	vld [tilespmem:$0x18280];
	_ =	sdelay $0x4  }
0xe7: {  	v3 =	vmul.f32 v3, v2  }
0xe8: {  	vm0 =	vge.f32 v2, $0.0e+00  }
0xe9: {  	v2 =	vsel vm0, v2, v3  }
0xea: {  	[tilespmem:s31+$0x14280] =	vst v2;
	v2 =	vld [tilespmem:s31+$0x14290]  }
0xeb: {  	v3 =	vld [tilespmem:$0x18290];
	_ =	sdelay $0x4  }
0xec: {  	v3 =	vmul.f32 v3, v2  }
0xed: {  	vm0 =	vge.f32 v2, $0.0e+00  }
0xee: {  	v2 =	vsel vm0, v2, v3  }
0xef: {  	[tilespmem:s31+$0x14290] =	vst v2;
	v2 =	vld [tilespmem:s31+$0x142A0]  }
0xf0: {  	v3 =	vld [tilespmem:$0x182A0];
	_ =	sdelay $0x4  }
0xf1: {  	v3 =	vmul.f32 v3, v2  }
0xf2: {  	vm0 =	vge.f32 v2, $0.0e+00  }
0xf3: {  	v2 =	vsel vm0, v2, v3  }
0xf4: {  	[tilespmem:s31+$0x142A0] =	vst v2;
	v2 =	vld [tilespmem:s31+$0x142B0]  }
0xf5: {  	v3 =	vld [tilespmem:$0x182B0];
	_ =	sdelay $0x4  }
0xf6: {  	v3 =	vmul.f32 v3, v2  }
0xf7: {  	vm0 =	vge.f32 v2, $0.0e+00  }
0xf8: {  	v2 =	vsel vm0, v2, v3  }
0xf9: {  	[tilespmem:s31+$0x142B0] =	vst v2;
	v2 =	vld [tilespmem:s31+$0x142C0]  }
0xfa: {  	v3 =	vld [tilespmem:$0x182C0];
	_ =	sdelay $0x4  }
0xfb: {  	v3 =	vmul.f32 v3, v2  }
0xfc: {  	vm0 =	vge.f32 v2, $0.0e+00  }
0xfd: {  	v2 =	vsel vm0, v2, v3  }
0xfe: {  	[tilespmem:s31+$0x142C0] =	vst v2;
	v2 =	vld [tilespmem:s31+$0x142D0]  }
0xff: {  	v3 =	vld [tilespmem:$0x182D0];
	_ =	sdelay $0x4  }
0x100: {  	v3 =	vmul.f32 v3, v2  }
0x101: {  	vm0 =	vge.f32 v2, $0.0e+00  }
0x102: {  	v2 =	vsel vm0, v2, v3  }
0x103: {  	[tilespmem:s31+$0x142D0] =	vst v2;
	v2 =	vld [tilespmem:s31+$0x142E0]  }
0x104: {  	v3 =	vld [tilespmem:$0x182E0];
	_ =	sdelay $0x4  }
0x105: {  	v3 =	vmul.f32 v3, v2  }
0x106: {  	vm0 =	vge.f32 v2, $0.0e+00  }
0x107: {  	v2 =	vsel vm0, v2, v3  }
0x108: {  	[tilespmem:s31+$0x142E0] =	vst v2;
	v2 =	vld [tilespmem:s31+$0x142F0]  }
0x109: {  	v3 =	vld [tilespmem:$0x182F0];
	_ =	sdelay $0x3  }
.Ltmp4:
0x10a: {  	(pc) =	sbr.rel @p0 .LBB2_10-.Ltmp4, $4  }
0x10b: {  	v3 =	vmul.f32 v3, v2  }
0x10c: {  	vm0 =	vge.f32 v2, $0.0e+00  }
0x10d: {  	s2 =	sshra.s32 s0, $0x2;
	v3 =	vsel vm0, v2, v3  }
0x10e: {  	s0 =	sadd.s32 $0x200, s0;
	v2 =	vld [tilespmem:s2+$0x14280];
	[tilespmem:s31+$0x142F0] =	vst v3;
	s31 =	smov.u32 s2  }
0x10f: {  	v3 =	vld [tilespmem:$0x18280];
	_ =	sdelay $0x4  }
0x110: {  	v3 =	vmul.f32 v3, v2  }
0x111: {  	vm0 =	vge.f32 v2, $0.0e+00  }
0x112: {  	v2 =	vsel vm0, v2, v3  }
0x113: {  	[tilespmem:s31+$0x14280] =	vst v2;
	v2 =	vld [tilespmem:s31+$0x14290]  }
0x114: {  	v3 =	vld [tilespmem:$0x18290];
	_ =	sdelay $0x4  }
0x115: {  	v3 =	vmul.f32 v3, v2  }
0x116: {  	vm9 =	vge.f32 v2, $0.0e+00  }
0x117: {  	v2 =	vsel vm9, v2, v3  }
0x118: {  	[tilespmem:s31+$0x14290] =	vst v2;
	v2 =	vld [tilespmem:s31+$0x142A0]  }
0x119: {  	v3 =	vld [tilespmem:$0x182A0];
	_ =	sdelay $0x4  }
0x11a: {  	v3 =	vmul.f32 v3, v2  }
0x11b: {  	vm10 =	vge.f32 v2, $0.0e+00  }
0x11c: {  	v2 =	vsel vm10, v2, v3  }
0x11d: {  	[tilespmem:s31+$0x142A0] =	vst v2;
	v2 =	vld [tilespmem:s31+$0x142B0]  }
0x11e: {  	v3 =	vld [tilespmem:$0x182B0];
	_ =	sdelay $0x4  }
0x11f: {  	v3 =	vmul.f32 v3, v2  }
0x120: {  	vm11 =	vge.f32 v2, $0.0e+00  }
0x121: {  	v2 =	vsel vm11, v2, v3  }
0x122: {  	[tilespmem:s31+$0x142B0] =	vst v2;
	v2 =	vld [tilespmem:s31+$0x142C0]  }
0x123: {  	v3 =	vld [tilespmem:$0x182C0];
	_ =	sdelay $0x4  }
0x124: {  	v3 =	vmul.f32 v3, v2  }
0x125: {  	vm12 =	vge.f32 v2, $0.0e+00  }
0x126: {  	v2 =	vsel vm12, v2, v3  }
0x127: {  	[tilespmem:s31+$0x142C0] =	vst v2;
	v2 =	vld [tilespmem:s31+$0x142D0]  }
0x128: {  	v3 =	vld [tilespmem:$0x182D0];
	_ =	sdelay $0x4  }
0x129: {  	v3 =	vmul.f32 v3, v2  }
0x12a: {  	vm13 =	vge.f32 v2, $0.0e+00  }
0x12b: {  	v2 =	vsel vm13, v2, v3  }
0x12c: {  	[tilespmem:s31+$0x142D0] =	vst v2;
	v2 =	vld [tilespmem:s31+$0x142E0]  }
0x12d: {  	v3 =	vld [tilespmem:$0x182E0];
	_ =	sdelay $0x4  }
0x12e: {  	v3 =	vmul.f32 v3, v2  }
0x12f: {  	vm14 =	vge.f32 v2, $0.0e+00  }
0x130: {  	v2 =	vsel vm14, v2, v3  }
0x131: {  	[tilespmem:s31+$0x142E0] =	vst v2;
	v2 =	vld [tilespmem:s31+$0x142F0]  }
0x132: {  	v3 =	vld [tilespmem:$0x182F0];
	_ =	sdelay $0x4  }
0x133: {  	v3 =	vmul.f32 v3, v2  }
0x134: {  	vm15 =	vge.f32 v2, $0.0e+00  }
0x135: {  	v2 =	vsel vm15, v2, v3  }
0x136: {  	[tilespmem:s31+$0x142F0] =	vst v2  }
0x137: {  	[hbm4b:s15+s29] =	stream.strided.scatter [tilespmem:s20], [sflag:$0x2], $0x4000, s30, s29, $0x38;
	[tilespmem:$0x18300] =	vst v63  }
0x138: {  	_ =	swait.ge [sflag:s21], $0x4000  }
0x139: {  	[sflag:s21] =	ssyncset.done $0x0  }
0x13a: {  	[sflag:s21] =	ssyncadd.s32 $0xFFFFC000  }
0x13b: {  	[tilespmem:s20], [sflag:$0x2] =	stream.linear.gather [spmem:s8], $0x4000, $0x38;
	[tilespmem:$0x18300] =	vst v63  }
0x13c: {  	_ =	swait.ge [sflag:s21], $0x4000  }
0x13d: {  	[sflag:s21] =	ssyncset.done $0x0  }
0x13e: {  	s31 =	simm.s32 $0x0;
	[sflag:s21] =	ssyncadd.s32 $0xFFFFC000  }
0x13f: {  	s0 =	simm.s32 $0x200;
	v2 =	vld [tilespmem:s31+$0x14280]  }
.LBB2_12:
0x140: {  	p0 =	sne.s32 s0, $0xFE00;
	v3 =	vld [tilespmem:$0x18280];
	_ =	sdelay $0x4  }
0x141: {  	v3 =	vmul.f32 v3, v2  }
0x142: {  	vm0 =	vge.f32 v2, $0.0e+00  }
0x143: {  	v2 =	vsel vm0, v2, v3  }
0x144: {  	[tilespmem:s31+$0x14280] =	vst v2;
	v2 =	vld [tilespmem:s31+$0x14290]  }
0x145: {  	v3 =	vld [tilespmem:$0x18290];
	_ =	sdelay $0x4  }
0x146: {  	v3 =	vmul.f32 v3, v2  }
0x147: {  	vm0 =	vge.f32 v2, $0.0e+00  }
0x148: {  	v2 =	vsel vm0, v2, v3  }
0x149: {  	[tilespmem:s31+$0x14290] =	vst v2;
	v2 =	vld [tilespmem:s31+$0x142A0]  }
0x14a: {  	v3 =	vld [tilespmem:$0x182A0];
	_ =	sdelay $0x4  }
0x14b: {  	v3 =	vmul.f32 v3, v2  }
0x14c: {  	vm0 =	vge.f32 v2, $0.0e+00  }
0x14d: {  	v2 =	vsel vm0, v2, v3  }
0x14e: {  	[tilespmem:s31+$0x142A0] =	vst v2;
	v2 =	vld [tilespmem:s31+$0x142B0]  }
0x14f: {  	v3 =	vld [tilespmem:$0x182B0];
	_ =	sdelay $0x4  }
0x150: {  	v3 =	vmul.f32 v3, v2  }
0x151: {  	vm0 =	vge.f32 v2, $0.0e+00  }
0x152: {  	v2 =	vsel vm0, v2, v3  }
0x153: {  	[tilespmem:s31+$0x142B0] =	vst v2;
	v2 =	vld [tilespmem:s31+$0x142C0]  }
0x154: {  	v3 =	vld [tilespmem:$0x182C0];
	_ =	sdelay $0x4  }
0x155: {  	v3 =	vmul.f32 v3, v2  }
0x156: {  	vm0 =	vge.f32 v2, $0.0e+00  }
0x157: {  	v2 =	vsel vm0, v2, v3  }
0x158: {  	[tilespmem:s31+$0x142C0] =	vst v2;
	v2 =	vld [tilespmem:s31+$0x142D0]  }
0x159: {  	v3 =	vld [tilespmem:$0x182D0];
	_ =	sdelay $0x4  }
0x15a: {  	v3 =	vmul.f32 v3, v2  }
0x15b: {  	vm0 =	vge.f32 v2, $0.0e+00  }
0x15c: {  	v2 =	vsel vm0, v2, v3  }
0x15d: {  	[tilespmem:s31+$0x142D0] =	vst v2;
	v2 =	vld [tilespmem:s31+$0x142E0]  }
0x15e: {  	v3 =	vld [tilespmem:$0x182E0];
	_ =	sdelay $0x4  }
0x15f: {  	v3 =	vmul.f32 v3, v2  }
0x160: {  	vm0 =	vge.f32 v2, $0.0e+00  }
0x161: {  	v2 =	vsel vm0, v2, v3  }
0x162: {  	[tilespmem:s31+$0x142E0] =	vst v2;
	v2 =	vld [tilespmem:s31+$0x142F0]  }
0x163: {  	v3 =	vld [tilespmem:$0x182F0];
	_ =	sdelay $0x3  }
.Ltmp5:
0x164: {  	(pc) =	sbr.rel @p0 .LBB2_12-.Ltmp5, $4  }
0x165: {  	v3 =	vmul.f32 v3, v2  }
0x166: {  	vm0 =	vge.f32 v2, $0.0e+00  }
0x167: {  	s2 =	sshra.s32 s0, $0x2;
	v3 =	vsel vm0, v2, v3  }
0x168: {  	s0 =	sadd.s32 $0x200, s0;
	v2 =	vld [tilespmem:s2+$0x14280];
	[tilespmem:s31+$0x142F0] =	vst v3;
	s31 =	smov.u32 s2  }
0x169: {  	v3 =	vld [tilespmem:$0x18280];
	_ =	sdelay $0x4  }
0x16a: {  	v3 =	vmul.f32 v3, v2  }
0x16b: {  	vm0 =	vge.f32 v2, $0.0e+00  }
0x16c: {  	v2 =	vsel vm0, v2, v3  }
0x16d: {  	[tilespmem:s31+$0x14280] =	vst v2;
	v2 =	vld [tilespmem:s31+$0x14290]  }
0x16e: {  	v3 =	vld [tilespmem:$0x18290];
	_ =	sdelay $0x4  }
0x16f: {  	v3 =	vmul.f32 v3, v2  }
0x170: {  	vm9 =	vge.f32 v2, $0.0e+00  }
0x171: {  	v2 =	vsel vm9, v2, v3  }
0x172: {  	[tilespmem:s31+$0x14290] =	vst v2;
	v2 =	vld [tilespmem:s31+$0x142A0]  }
0x173: {  	v3 =	vld [tilespmem:$0x182A0];
	_ =	sdelay $0x4  }
0x174: {  	v3 =	vmul.f32 v3, v2  }
0x175: {  	vm10 =	vge.f32 v2, $0.0e+00  }
0x176: {  	v2 =	vsel vm10, v2, v3  }
0x177: {  	[tilespmem:s31+$0x142A0] =	vst v2;
	v2 =	vld [tilespmem:s31+$0x142B0]  }
0x178: {  	v3 =	vld [tilespmem:$0x182B0];
	_ =	sdelay $0x4  }
0x179: {  	v3 =	vmul.f32 v3, v2  }
0x17a: {  	vm11 =	vge.f32 v2, $0.0e+00  }
0x17b: {  	v2 =	vsel vm11, v2, v3  }
0x17c: {  	[tilespmem:s31+$0x142B0] =	vst v2;
	v2 =	vld [tilespmem:s31+$0x142C0]  }
0x17d: {  	v3 =	vld [tilespmem:$0x182C0];
	_ =	sdelay $0x4  }
0x17e: {  	v3 =	vmul.f32 v3, v2  }
0x17f: {  	vm12 =	vge.f32 v2, $0.0e+00  }
0x180: {  	v2 =	vsel vm12, v2, v3  }
0x181: {  	[tilespmem:s31+$0x142C0] =	vst v2;
	v2 =	vld [tilespmem:s31+$0x142D0]  }
0x182: {  	v3 =	vld [tilespmem:$0x182D0];
	_ =	sdelay $0x4  }
0x183: {  	v3 =	vmul.f32 v3, v2  }
0x184: {  	vm13 =	vge.f32 v2, $0.0e+00  }
0x185: {  	v2 =	vsel vm13, v2, v3  }
0x186: {  	[tilespmem:s31+$0x142D0] =	vst v2;
	v2 =	vld [tilespmem:s31+$0x142E0]  }
0x187: {  	v3 =	vld [tilespmem:$0x182E0];
	_ =	sdelay $0x4  }
0x188: {  	v3 =	vmul.f32 v3, v2  }
0x189: {  	vm14 =	vge.f32 v2, $0.0e+00  }
0x18a: {  	v2 =	vsel vm14, v2, v3  }
0x18b: {  	[tilespmem:s31+$0x142E0] =	vst v2;
	v2 =	vld [tilespmem:s31+$0x142F0]  }
0x18c: {  	v3 =	vld [tilespmem:$0x182F0];
	_ =	sdelay $0x4  }
0x18d: {  	v3 =	vmul.f32 v3, v2  }
0x18e: {  	vm15 =	vge.f32 v2, $0.0e+00  }
0x18f: {  	v2 =	vsel vm15, v2, v3  }
0x190: {  	[tilespmem:s31+$0x142F0] =	vst v2  }
0x191: {  	[hbm4b:s16+s29] =	stream.strided.scatter [tilespmem:s20], [sflag:$0x2], $0x4000, s30, s29, $0x38;
	[tilespmem:$0x18300] =	vst v63  }
0x192: {  	_ =	swait.ge [sflag:s21], $0x4000  }
0x193: {  	[sflag:s21] =	ssyncset.done $0x0  }
0x194: {  	[sflag:s21] =	ssyncadd.s32 $0xFFFFC000  }
0x195: {  	[tilespmem:s20], [sflag:$0x2] =	stream.linear.gather [spmem:s9], $0x4000, $0x38;
	[tilespmem:$0x18300] =	vst v63  }
0x196: {  	_ =	swait.ge [sflag:s21], $0x4000  }
0x197: {  	[sflag:s21] =	ssyncset.done $0x0  }
0x198: {  	s31 =	simm.s32 $0x0;
	[sflag:s21] =	ssyncadd.s32 $0xFFFFC000  }
0x199: {  	s0 =	simm.s32 $0x200;
	v2 =	vld [tilespmem:s31+$0x14280]  }
.LBB2_14:
0x19a: {  	p0 =	sne.s32 s0, $0xFE00;
	v3 =	vld [tilespmem:$0x18280];
	_ =	sdelay $0x4  }
0x19b: {  	v3 =	vmul.f32 v3, v2  }
0x19c: {  	vm0 =	vge.f32 v2, $0.0e+00  }
0x19d: {  	v2 =	vsel vm0, v2, v3  }
0x19e: {  	[tilespmem:s31+$0x14280] =	vst v2;
	v2 =	vld [tilespmem:s31+$0x14290]  }
0x19f: {  	v3 =	vld [tilespmem:$0x18290];
	_ =	sdelay $0x4  }
0x1a0: {  	v3 =	vmul.f32 v3, v2  }
0x1a1: {  	vm0 =	vge.f32 v2, $0.0e+00  }
0x1a2: {  	v2 =	vsel vm0, v2, v3  }
0x1a3: {  	[tilespmem:s31+$0x14290] =	vst v2;
	v2 =	vld [tilespmem:s31+$0x142A0]  }
0x1a4: {  	v3 =	vld [tilespmem:$0x182A0];
	_ =	sdelay $0x4  }
0x1a5: {  	v3 =	vmul.f32 v3, v2  }
0x1a6: {  	vm0 =	vge.f32 v2, $0.0e+00  }
0x1a7: {  	v2 =	vsel vm0, v2, v3  }
0x1a8: {  	[tilespmem:s31+$0x142A0] =	vst v2;
	v2 =	vld [tilespmem:s31+$0x142B0]  }
0x1a9: {  	v3 =	vld [tilespmem:$0x182B0];
	_ =	sdelay $0x4  }
0x1aa: {  	v3 =	vmul.f32 v3, v2  }
0x1ab: {  	vm0 =	vge.f32 v2, $0.0e+00  }
0x1ac: {  	v2 =	vsel vm0, v2, v3  }
0x1ad: {  	[tilespmem:s31+$0x142B0] =	vst v2;
	v2 =	vld [tilespmem:s31+$0x142C0]  }
0x1ae: {  	v3 =	vld [tilespmem:$0x182C0];
	_ =	sdelay $0x4  }
0x1af: {  	v3 =	vmul.f32 v3, v2  }
0x1b0: {  	vm0 =	vge.f32 v2, $0.0e+00  }
0x1b1: {  	v2 =	vsel vm0, v2, v3  }
0x1b2: {  	[tilespmem:s31+$0x142C0] =	vst v2;
	v2 =	vld [tilespmem:s31+$0x142D0]  }
0x1b3: {  	v3 =	vld [tilespmem:$0x182D0];
	_ =	sdelay $0x4  }
0x1b4: {  	v3 =	vmul.f32 v3, v2  }
0x1b5: {  	vm0 =	vge.f32 v2, $0.0e+00  }
0x1b6: {  	v2 =	vsel vm0, v2, v3  }
0x1b7: {  	[tilespmem:s31+$0x142D0] =	vst v2;
	v2 =	vld [tilespmem:s31+$0x142E0]  }
0x1b8: {  	v3 =	vld [tilespmem:$0x182E0];
	_ =	sdelay $0x4  }
0x1b9: {  	v3 =	vmul.f32 v3, v2  }
0x1ba: {  	vm0 =	vge.f32 v2, $0.0e+00  }
0x1bb: {  	v2 =	vsel vm0, v2, v3  }
0x1bc: {  	[tilespmem:s31+$0x142E0] =	vst v2;
	v2 =	vld [tilespmem:s31+$0x142F0]  }
0x1bd: {  	v3 =	vld [tilespmem:$0x182F0];
	_ =	sdelay $0x3  }
.Ltmp6:
0x1be: {  	(pc) =	sbr.rel @p0 .LBB2_14-.Ltmp6, $4  }
0x1bf: {  	v3 =	vmul.f32 v3, v2  }
0x1c0: {  	vm0 =	vge.f32 v2, $0.0e+00  }
0x1c1: {  	s2 =	sshra.s32 s0, $0x2;
	v3 =	vsel vm0, v2, v3  }
0x1c2: {  	s0 =	sadd.s32 $0x200, s0;
	v2 =	vld [tilespmem:s2+$0x14280];
	[tilespmem:s31+$0x142F0] =	vst v3;
	s31 =	smov.u32 s2  }
0x1c3: {  	v3 =	vld [tilespmem:$0x18280];
	_ =	sdelay $0x4  }
0x1c4: {  	v3 =	vmul.f32 v3, v2  }
0x1c5: {  	vm0 =	vge.f32 v2, $0.0e+00  }
0x1c6: {  	v2 =	vsel vm0, v2, v3  }
0x1c7: {  	[tilespmem:s31+$0x14280] =	vst v2;
	v2 =	vld [tilespmem:s31+$0x14290]  }
0x1c8: {  	v3 =	vld [tilespmem:$0x18290];
	_ =	sdelay $0x4  }
0x1c9: {  	v3 =	vmul.f32 v3, v2  }
0x1ca: {  	vm9 =	vge.f32 v2, $0.0e+00  }
0x1cb: {  	v2 =	vsel vm9, v2, v3  }
0x1cc: {  	[tilespmem:s31+$0x14290] =	vst v2;
	v2 =	vld [tilespmem:s31+$0x142A0]  }
0x1cd: {  	v3 =	vld [tilespmem:$0x182A0];
	_ =	sdelay $0x4  }
0x1ce: {  	v3 =	vmul.f32 v3, v2  }
0x1cf: {  	vm10 =	vge.f32 v2, $0.0e+00  }
0x1d0: {  	v2 =	vsel vm10, v2, v3  }
0x1d1: {  	[tilespmem:s31+$0x142A0] =	vst v2;
	v2 =	vld [tilespmem:s31+$0x142B0]  }
0x1d2: {  	v3 =	vld [tilespmem:$0x182B0];
	_ =	sdelay $0x4  }
0x1d3: {  	v3 =	vmul.f32 v3, v2  }
0x1d4: {  	vm11 =	vge.f32 v2, $0.0e+00  }
0x1d5: {  	v2 =	vsel vm11, v2, v3  }
0x1d6: {  	[tilespmem:s31+$0x142B0] =	vst v2;
	v2 =	vld [tilespmem:s31+$0x142C0]  }
0x1d7: {  	v3 =	vld [tilespmem:$0x182C0];
	_ =	sdelay $0x4  }
0x1d8: {  	v3 =	vmul.f32 v3, v2  }
0x1d9: {  	vm12 =	vge.f32 v2, $0.0e+00  }
0x1da: {  	v2 =	vsel vm12, v2, v3  }
0x1db: {  	[tilespmem:s31+$0x142C0] =	vst v2;
	v2 =	vld [tilespmem:s31+$0x142D0]  }
0x1dc: {  	v3 =	vld [tilespmem:$0x182D0];
	_ =	sdelay $0x4  }
0x1dd: {  	v3 =	vmul.f32 v3, v2  }
0x1de: {  	vm13 =	vge.f32 v2, $0.0e+00  }
0x1df: {  	v2 =	vsel vm13, v2, v3  }
0x1e0: {  	[tilespmem:s31+$0x142D0] =	vst v2;
	v2 =	vld [tilespmem:s31+$0x142E0]  }
0x1e1: {  	v3 =	vld [tilespmem:$0x182E0];
	_ =	sdelay $0x4  }
0x1e2: {  	v3 =	vmul.f32 v3, v2  }
0x1e3: {  	vm14 =	vge.f32 v2, $0.0e+00  }
0x1e4: {  	v2 =	vsel vm14, v2, v3  }
0x1e5: {  	[tilespmem:s31+$0x142E0] =	vst v2;
	v2 =	vld [tilespmem:s31+$0x142F0]  }
0x1e6: {  	v3 =	vld [tilespmem:$0x182F0];
	_ =	sdelay $0x4  }
0x1e7: {  	v3 =	vmul.f32 v3, v2  }
0x1e8: {  	vm15 =	vge.f32 v2, $0.0e+00  }
0x1e9: {  	v2 =	vsel vm15, v2, v3  }
0x1ea: {  	[tilespmem:s31+$0x142F0] =	vst v2  }
0x1eb: {  	[hbm4b:s17+s29] =	stream.strided.scatter [tilespmem:s20], [sflag:$0x2], $0x4000, s30, s29, $0x38;
	[tilespmem:$0x18300] =	vst v63  }
0x1ec: {  	_ =	swait.ge [sflag:s21], $0x4000  }
0x1ed: {  	[sflag:s21] =	ssyncset.done $0x0  }
0x1ee: {  	[sflag:s21] =	ssyncadd.s32 $0xFFFFC000  }
0x1ef: {  	[tilespmem:s20], [sflag:$0x2] =	stream.linear.gather [spmem:s10], $0x4000, $0x38;
	[tilespmem:$0x18300] =	vst v63  }
0x1f0: {  	_ =	swait.ge [sflag:s21], $0x4000  }
0x1f1: {  	[sflag:s21] =	ssyncset.done $0x0  }
0x1f2: {  	s31 =	simm.s32 $0x0;
	[sflag:s21] =	ssyncadd.s32 $0xFFFFC000  }
0x1f3: {  	s0 =	simm.s32 $0x200;
	v2 =	vld [tilespmem:s31+$0x14280]  }
.LBB2_16:
0x1f4: {  	p0 =	sne.s32 s0, $0xFE00;
	v3 =	vld [tilespmem:$0x18280];
	_ =	sdelay $0x4  }
0x1f5: {  	v3 =	vmul.f32 v3, v2  }
0x1f6: {  	vm0 =	vge.f32 v2, $0.0e+00  }
0x1f7: {  	v2 =	vsel vm0, v2, v3  }
0x1f8: {  	[tilespmem:s31+$0x14280] =	vst v2;
	v2 =	vld [tilespmem:s31+$0x14290]  }
0x1f9: {  	v3 =	vld [tilespmem:$0x18290];
	_ =	sdelay $0x4  }
0x1fa: {  	v3 =	vmul.f32 v3, v2  }
0x1fb: {  	vm0 =	vge.f32 v2, $0.0e+00  }
0x1fc: {  	v2 =	vsel vm0, v2, v3  }
0x1fd: {  	[tilespmem:s31+$0x14290] =	vst v2;
	v2 =	vld [tilespmem:s31+$0x142A0]  }
0x1fe: {  	v3 =	vld [tilespmem:$0x182A0];
	_ =	sdelay $0x4  }
0x1ff: {  	v3 =	vmul.f32 v3, v2  }
0x200: {  	vm0 =	vge.f32 v2, $0.0e+00  }
0x201: {  	v2 =	vsel vm0, v2, v3  }
0x202: {  	[tilespmem:s31+$0x142A0] =	vst v2;
	v2 =	vld [tilespmem:s31+$0x142B0]  }
0x203: {  	v3 =	vld [tilespmem:$0x182B0];
	_ =	sdelay $0x4  }
0x204: {  	v3 =	vmul.f32 v3, v2  }
0x205: {  	vm0 =	vge.f32 v2, $0.0e+00  }
0x206: {  	v2 =	vsel vm0, v2, v3  }
0x207: {  	[tilespmem:s31+$0x142B0] =	vst v2;
	v2 =	vld [tilespmem:s31+$0x142C0]  }
0x208: {  	v3 =	vld [tilespmem:$0x182C0];
	_ =	sdelay $0x4  }
0x209: {  	v3 =	vmul.f32 v3, v2  }
0x20a: {  	vm0 =	vge.f32 v2, $0.0e+00  }
0x20b: {  	v2 =	vsel vm0, v2, v3  }
0x20c: {  	[tilespmem:s31+$0x142C0] =	vst v2;
	v2 =	vld [tilespmem:s31+$0x142D0]  }
0x20d: {  	v3 =	vld [tilespmem:$0x182D0];
	_ =	sdelay $0x4  }
0x20e: {  	v3 =	vmul.f32 v3, v2  }
0x20f: {  	vm0 =	vge.f32 v2, $0.0e+00  }
0x210: {  	v2 =	vsel vm0, v2, v3  }
0x211: {  	[tilespmem:s31+$0x142D0] =	vst v2;
	v2 =	vld [tilespmem:s31+$0x142E0]  }
0x212: {  	v3 =	vld [tilespmem:$0x182E0];
	_ =	sdelay $0x4  }
0x213: {  	v3 =	vmul.f32 v3, v2  }
0x214: {  	vm0 =	vge.f32 v2, $0.0e+00  }
0x215: {  	v2 =	vsel vm0, v2, v3  }
0x216: {  	[tilespmem:s31+$0x142E0] =	vst v2;
	v2 =	vld [tilespmem:s31+$0x142F0]  }
0x217: {  	v3 =	vld [tilespmem:$0x182F0];
	_ =	sdelay $0x3  }
.Ltmp7:
0x218: {  	(pc) =	sbr.rel @p0 .LBB2_16-.Ltmp7, $4  }
0x219: {  	v3 =	vmul.f32 v3, v2  }
0x21a: {  	vm0 =	vge.f32 v2, $0.0e+00  }
0x21b: {  	s2 =	sshra.s32 s0, $0x2;
	v3 =	vsel vm0, v2, v3  }
0x21c: {  	s0 =	sadd.s32 $0x200, s0;
	v2 =	vld [tilespmem:s2+$0x14280];
	[tilespmem:s31+$0x142F0] =	vst v3;
	s31 =	smov.u32 s2  }
0x21d: {  	v3 =	vld [tilespmem:$0x18280];
	_ =	sdelay $0x4  }
0x21e: {  	v3 =	vmul.f32 v3, v2  }
0x21f: {  	vm0 =	vge.f32 v2, $0.0e+00  }
0x220: {  	v2 =	vsel vm0, v2, v3  }
0x221: {  	[tilespmem:s31+$0x14280] =	vst v2;
	v2 =	vld [tilespmem:s31+$0x14290]  }
0x222: {  	v3 =	vld [tilespmem:$0x18290];
	_ =	sdelay $0x4  }
0x223: {  	v3 =	vmul.f32 v3, v2  }
0x224: {  	vm9 =	vge.f32 v2, $0.0e+00  }
0x225: {  	v2 =	vsel vm9, v2, v3  }
0x226: {  	[tilespmem:s31+$0x14290] =	vst v2;
	v2 =	vld [tilespmem:s31+$0x142A0]  }
0x227: {  	v3 =	vld [tilespmem:$0x182A0];
	_ =	sdelay $0x4  }
0x228: {  	v3 =	vmul.f32 v3, v2  }
0x229: {  	vm10 =	vge.f32 v2, $0.0e+00  }
0x22a: {  	v2 =	vsel vm10, v2, v3  }
0x22b: {  	[tilespmem:s31+$0x142A0] =	vst v2;
	v2 =	vld [tilespmem:s31+$0x142B0]  }
0x22c: {  	v3 =	vld [tilespmem:$0x182B0];
	_ =	sdelay $0x4  }
0x22d: {  	v3 =	vmul.f32 v3, v2  }
0x22e: {  	vm11 =	vge.f32 v2, $0.0e+00  }
0x22f: {  	v2 =	vsel vm11, v2, v3  }
0x230: {  	[tilespmem:s31+$0x142B0] =	vst v2;
	v2 =	vld [tilespmem:s31+$0x142C0]  }
0x231: {  	v3 =	vld [tilespmem:$0x182C0];
	_ =	sdelay $0x4  }
0x232: {  	v3 =	vmul.f32 v3, v2  }
0x233: {  	vm12 =	vge.f32 v2, $0.0e+00  }
0x234: {  	v2 =	vsel vm12, v2, v3  }
0x235: {  	[tilespmem:s31+$0x142C0] =	vst v2;
	v2 =	vld [tilespmem:s31+$0x142D0]  }
0x236: {  	v3 =	vld [tilespmem:$0x182D0];
	_ =	sdelay $0x4  }
0x237: {  	v3 =	vmul.f32 v3, v2  }
0x238: {  	vm13 =	vge.f32 v2, $0.0e+00  }
0x239: {  	v2 =	vsel vm13, v2, v3  }
0x23a: {  	[tilespmem:s31+$0x142D0] =	vst v2;
	v2 =	vld [tilespmem:s31+$0x142E0]  }
0x23b: {  	v3 =	vld [tilespmem:$0x182E0];
	_ =	sdelay $0x4  }
0x23c: {  	v3 =	vmul.f32 v3, v2  }
0x23d: {  	vm14 =	vge.f32 v2, $0.0e+00  }
0x23e: {  	v2 =	vsel vm14, v2, v3  }
0x23f: {  	[tilespmem:s31+$0x142E0] =	vst v2;
	v2 =	vld [tilespmem:s31+$0x142F0]  }
0x240: {  	v3 =	vld [tilespmem:$0x182F0];
	_ =	sdelay $0x4  }
0x241: {  	v3 =	vmul.f32 v3, v2  }
0x242: {  	s4 =	sadd.s32 $0x1, s4;
	vm15 =	vge.f32 v2, $0.0e+00  }
0x243: {  	p0 =	sne.s32 s4, s19;
	v2 =	vsel vm15, v2, v3  }
.Ltmp8:
0x244: {  	[tilespmem:s31+$0x142F0] =	vst v2;
	(pc) =	sbr.rel @p0 .LBB2_1-.Ltmp8, $4  }
0x245: {  	[hbm4b:s18+s29] =	stream.strided.scatter [tilespmem:s20], [sflag:$0x2], $0x4000, s30, s29, $0x38;
	[tilespmem:$0x18300] =	vst v63  }
0x246: {  	_ =	swait.ge [sflag:s21], $0x4000  }
0x247: {  	[sflag:s21] =	ssyncset.done $0x0  }
0x248: {  	[sflag:s21] =	ssyncadd.s32 $0xFFFFC000  }
0x249: {  	_ =	sfence.sel $0x180000  }
0x24a: {  	[bflag:$0x0] =	sbarrier.arrive $0xFFFF  }
0x24b: {  	_ =	strace $0x90000047  }
0x24c: {  	s0 =	stileid.u32;
	[bflag:$0x2] =	sbarrier.arrive $0xFFFF  }
0x24d: {  	p0 =	sne.s32 s0, $0x0;
	s0 =	rddreg [dreg:$0x4]  }
0x24e: {  	s0 =	sadd.s32 @!p0 $0x100000, s0  }
0x24f: {  	[sflag:s0] =	ssyncadd.tile.s32 @!p0 $0x1;
	_ =	shalt  }
.Lfunc_end2:
_tile_overlayer_lowered:
.L_overlay_start_2:
0x250: {  	(tag) =	ssettag $0x2  }
0x251: {  	s0 =	rddreg [dreg:$0x0];
	s2 =	stileid.u32  }
0x252: {  	s1 =	rddreg [dreg:$0x1];
	p0 =	sne.s32 s2, $0x0  }
0x253: {  	s3 =	rddreg [dreg:$0x2];
	[bflag:$0x3] =	sbarrier.arrive $0xFFFF;
	s2 =	simm.s32 @!p0 $0x1C02  }
0x254: {  	[timem:s3], [sflag:s2] =	dma.local @!p0 [hbm:s0], s1  }
0x255: {  	s0 =	simm.s32 @!p0 $0x2  }
0x256: {  	_ =	swait.ge @!p0 [sflag:s0], s1  }
0x257: {  	s1 =	ssub.s32 @!p0 $0x0, s1;
	[sflag:s0] =	ssyncset.done @!p0 $0x0  }
0x258: {  	[sflag:s0] =	ssyncadd.s32 @!p0 s1  }
0x259: {  	[bflag:$0x3] =	sbarrier.arrive $0xFFFF  }
0x25a: {  	_ =	shalt  }

</sc_bundles>
